<compile_context>
chip_gen: v7x
topology: tpu7x:2x2x1
jax: 0.10.2.dev20260603
libtpu: 0.0.44.dev20260713+nightly
codegen_flags: <defaults>
</compile_context>

<pallas_src>
import functools

import jax
import jax.numpy as jnp
from jax import lax
from jax.experimental import pallas as pl
from jax.experimental.pallas import tpu as pltpu
from jax.experimental.pallas import tpu_sc as plsc

CHUNK = 128
NBUF = 5
LEAD = 4


@functools.lru_cache(maxsize=None)
def _make_gather(H, Bt, V, D):
    info = plsc.get_sparse_core_info()
    NC, NS = info.num_cores, info.num_subcores
    NW = NC * NS
    assert Bt % (NW * CHUNK) == 0 and H % NBUF == 0
    mesh = plsc.VectorSubcoreMesh(core_axis_name="c", subcore_axis_name="s")

    @functools.partial(
        pl.kernel,
        mesh=mesh,
        out_type=jax.ShapeDtypeStruct((H * Bt, D), jnp.float32),
        scratch_types=[
            pltpu.VMEM((H, CHUNK), jnp.int32),
            pltpu.VMEM((NBUF, CHUNK, D), jnp.float32),
            [pltpu.SemaphoreType.DMA] * NBUF,
            [pltpu.SemaphoreType.DMA] * NBUF,
            pltpu.SemaphoreType.DMA,
        ],
    )
    def gather_kernel(
        idx_hbm, table_hbm, out_hbm, idx_v, rows_v, gsems, osems, isem
    ):
        wid = lax.axis_index("s") * NC + lax.axis_index("c")
        col = wid * CHUNK
        pltpu.sync_copy(
            idx_hbm.at[pl.ds(0, 8), pl.ds(col, CHUNK)], idx_v.at[pl.ds(0, 8)]
        )
        rest = pltpu.async_copy(
            idx_hbm.at[pl.ds(8, H - 8), pl.ds(col, CHUNK)],
            idx_v.at[pl.ds(8, H - 8)],
            isem,
        )

        for j in range(LEAD):
            pltpu.async_copy(table_hbm.at[idx_v.at[j]], rows_v.at[j], gsems[j])
        rest.wait()

        def group(g, _):
            j0 = g * NBUF
            for b in range(NBUF):
                j = j0 + b
                jn = j + LEAD
                sn = (b + LEAD) % NBUF
                jw = jn - NBUF

                @pl.when((jw >= 0) & (jn < H))
                def _():
                    pltpu.make_async_copy(
                        rows_v.at[sn],
                        out_hbm.at[pl.ds(jw * Bt + col, CHUNK)],
                        osems[sn],
                    ).wait()

                @pl.when(jn < H)
                def _():
                    pltpu.async_copy(
                        table_hbm.at[idx_v.at[jn]], rows_v.at[sn], gsems[sn]
                    )

                pltpu.make_async_copy(
                    table_hbm.at[idx_v.at[j]], rows_v.at[b], gsems[b]
                ).wait()
                pltpu.async_copy(
                    rows_v.at[b], out_hbm.at[pl.ds(j * Bt + col, CHUNK)], osems[b]
                )

            return 0

        lax.fori_loop(0, H // NBUF, group, 0)

        for b in range(NBUF):
            j = H - NBUF + b
            pltpu.make_async_copy(
                rows_v.at[j % NBUF],
                out_hbm.at[pl.ds(j * Bt + col, CHUNK)],
                osems[j % NBUF],
            ).wait()

    return gather_kernel


def kernel(x, table):
    B_, H_ = x.shape
    V, D = table.shape
    x_t = x.T.astype(jnp.int32)
    out = _make_gather(H_, B_, V, D)(x_t, table)
    return out.reshape(H_, B_, D).transpose(1, 0, 2)

# --- scband reference (transcript-rebuilt; emitter-appended) ---
"""Pipeline reference for scband-word2-vec-3401614098683 (READ-ONLY COPY).

The authoritative reference and input builder live on the scoring server;
editing this copy changes nothing except your own understanding.
"""

import jax, jax.numpy as jnp
import numpy as np

VOCAB = 100000
EMBED = 128
BATCH = 4096
HIST = 50

def setup_inputs(seed: int = 0) -> dict:
    key = jax.random.key(seed)
    k1, k2 = jax.random.split(key)
    x = jax.random.randint(k1, (BATCH, HIST), 0, VOCAB, dtype=jnp.int64 if jax.config.jax_enable_x64 else jnp.int32)
    table = jax.random.normal(k2, (VOCAB, EMBED), dtype=jnp.float32) * 0.02
    return {"x": x, "table": table}

def reference(x, table):
    # nn.Embedding forward: gather rows of the table by index
    return jnp.take(table, x, axis=0)

if __name__ == "__main__":
    import jax
    _d = setup_inputs()
    print(jax.jit(kernel)(*tuple(_d.values())))

</pallas_src>

<mosaic_0001>
#map = affine_map<(d0, d1) -> (0, 0)>
module attributes {stable_mosaic.version = 14 : i64} {
  func.func @gather_kernel(%arg0: i32, %arg1: i32, %arg2: memref<50x4096xi32, #tpu.memory_space<hbm>>, %arg3: memref<100000x128xf32, #tpu.memory_space<hbm>>, %arg4: memref<204800x128xf32, #tpu.memory_space<hbm>>, %arg5: memref<50x128xi32, #tpu.memory_space<vmem>>, %arg6: memref<5x128x128xf32, #tpu.memory_space<vmem>>, %arg7: memref<!tpu.dma_semaphore, #tpu.memory_space<semaphore_mem>>, %arg8: memref<!tpu.dma_semaphore, #tpu.memory_space<semaphore_mem>>, %arg9: memref<!tpu.dma_semaphore, #tpu.memory_space<semaphore_mem>>, %arg10: memref<!tpu.dma_semaphore, #tpu.memory_space<semaphore_mem>>, %arg11: memref<!tpu.dma_semaphore, #tpu.memory_space<semaphore_mem>>, %arg12: memref<!tpu.dma_semaphore, #tpu.memory_space<semaphore_mem>>, %arg13: memref<!tpu.dma_semaphore, #tpu.memory_space<semaphore_mem>>, %arg14: memref<!tpu.dma_semaphore, #tpu.memory_space<semaphore_mem>>, %arg15: memref<!tpu.dma_semaphore, #tpu.memory_space<semaphore_mem>>, %arg16: memref<!tpu.dma_semaphore, #tpu.memory_space<semaphore_mem>>, %arg17: memref<!tpu.dma_semaphore, #tpu.memory_space<semaphore_mem>>) attributes {dimension_semantics = [#tpu.dimension_semantics<core_parallel>, #tpu.dimension_semantics<subcore_parallel>], iteration_bounds = array<i64: 2, 16>, scalar_prefetch = 0 : i64, scratch_operands = 13 : i64, tpu.core_type = #tpu.core_type<sc_vector_subcore>, window_params = [{transform_indices = #map}, {transform_indices = #map}, {transform_indices = #map}]} {
    %mul3A = arith.constant 2 : i32
    %mul3A_0 = arith.muli %arg1, %mul3A : i32
    %add3A = arith.addi %mul3A_0, %arg0 : i32
    %mul3A_1 = arith.constant 128 : i32
    %mul3A_2 = arith.muli %add3A, %mul3A_1 : i32
    "tpu.region"() ({
      %run_scoped3A = tpu.sem_alloc : memref<!tpu.dma_semaphore, #tpu.memory_space<semaphore_mem>>
      %dma_start3A_150 = arith.constant 0 : i32
      %dma_start3A_151 = arith.constant 0 : i32
      %dma_start3A_152 = tpu.memref_slice %arg5[%dma_start3A_150, %dma_start3A_151] : memref<50x128xi32, #tpu.memory_space<vmem>> -> memref<8x128xi32, #tpu.memory_space<vmem>>
      %dma_start3A_153 = arith.constant 0 : i32
      %dma_start3A_154 = tpu.memref_slice %arg2[%dma_start3A_153, %mul3A_2] : memref<50x4096xi32, #tpu.memory_space<hbm>> -> memref<8x128xi32, #tpu.memory_space<hbm>>
      %dma_start3A_155 = arith.constant 0 : i32
      %dma_start3A_156 = arith.constant 0 : i32
      %dma_start3A_157 = tpu.memref_slice %arg5[%dma_start3A_155, %dma_start3A_156] : memref<50x128xi32, #tpu.memory_space<vmem>> -> memref<8x128xi32, #tpu.memory_space<vmem>>
      %dma_start3A_158 = arith.constant 0 : i32
      %dma_start3A_159 = tpu.memref_slice %arg2[%dma_start3A_158, %mul3A_2] : memref<50x4096xi32, #tpu.memory_space<hbm>> -> memref<8x128xi32, #tpu.memory_space<hbm>>
      tpu.enqueue_dma source(%dma_start3A_159 : memref<8x128xi32, #tpu.memory_space<hbm>>) target(%dma_start3A_157 : memref<8x128xi32, #tpu.memory_space<vmem>>) target_semaphore(%run_scoped3A : memref<!tpu.dma_semaphore, #tpu.memory_space<semaphore_mem>>)
      %dma_wait3A_160 = arith.constant 0 : i32
      %dma_wait3A_161 = arith.constant 0 : i32
      %dma_wait3A_162 = tpu.memref_slice %arg5[%dma_wait3A_160, %dma_wait3A_161] : memref<50x128xi32, #tpu.memory_space<vmem>> -> memref<8x128xi32, #tpu.memory_space<vmem>>
      %dma_wait3A_163 = arith.constant 0 : i32
      %dma_wait3A_164 = tpu.memref_slice %arg2[%dma_wait3A_163, %mul3A_2] : memref<50x4096xi32, #tpu.memory_space<hbm>> -> memref<8x128xi32, #tpu.memory_space<hbm>>
      %dma_wait3A_165 = arith.constant 0 : i32
      %dma_wait3A_166 = arith.constant 0 : i32
      %dma_wait3A_167 = tpu.memref_slice %arg5[%dma_wait3A_165, %dma_wait3A_166] : memref<50x128xi32, #tpu.memory_space<vmem>> -> memref<8x128xi32, #tpu.memory_space<vmem>>
      %dma_wait3A_168 = arith.constant 0 : i32
      %dma_wait3A_169 = tpu.memref_slice %arg2[%dma_wait3A_168, %mul3A_2] : memref<50x4096xi32, #tpu.memory_space<hbm>> -> memref<8x128xi32, #tpu.memory_space<hbm>>
      tpu.wait_dma2 semaphore(%run_scoped3A : memref<!tpu.dma_semaphore, #tpu.memory_space<semaphore_mem>>) src(%dma_wait3A_169 : memref<8x128xi32, #tpu.memory_space<hbm>>) dst(%dma_wait3A_167 : memref<8x128xi32, #tpu.memory_space<vmem>>)
      tpu.yield
    }) : () -> ()
    %dma_start3A = arith.constant 8 : i32
    %dma_start3A_3 = arith.constant 0 : i32
    %dma_start3A_4 = tpu.memref_slice %arg5[%dma_start3A, %dma_start3A_3] : memref<50x128xi32, #tpu.memory_space<vmem>> -> memref<42x128xi32, #tpu.memory_space<vmem>>
    %dma_start3A_5 = arith.constant 8 : i32
    %dma_start3A_6 = tpu.memref_slice %arg2[%dma_start3A_5, %mul3A_2] : memref<50x4096xi32, #tpu.memory_space<hbm>> -> memref<42x128xi32, #tpu.memory_space<hbm>>
    %dma_start3A_7 = arith.constant 8 : i32
    %dma_start3A_8 = arith.constant 0 : i32
    %dma_start3A_9 = tpu.memref_slice %arg5[%dma_start3A_7, %dma_start3A_8] : memref<50x128xi32, #tpu.memory_space<vmem>> -> memref<42x128xi32, #tpu.memory_space<vmem>>
    %dma_start3A_10 = arith.constant 8 : i32
    %dma_start3A_11 = tpu.memref_slice %arg2[%dma_start3A_10, %mul3A_2] : memref<50x4096xi32, #tpu.memory_space<hbm>> -> memref<42x128xi32, #tpu.memory_space<hbm>>
    tpu.enqueue_dma source(%dma_start3A_11 : memref<42x128xi32, #tpu.memory_space<hbm>>) target(%dma_start3A_9 : memref<42x128xi32, #tpu.memory_space<vmem>>) target_semaphore(%arg17 : memref<!tpu.dma_semaphore, #tpu.memory_space<semaphore_mem>>)
    %dma_start3A_12 = arith.constant 0 : i32
    %dma_start3A_13 = arith.constant 0 : i32
    %dma_start3A_14 = arith.constant 0 : i32
    %dma_start3A_15 = arith.constant 0 : i32
    %dma_start3A_16 = tpu.memref_slice %arg6[%dma_start3A_13, %dma_start3A_14, %dma_start3A_15] : memref<5x128x128xf32, #tpu.memory_space<vmem>> -> memref<1x128x128xf32, #tpu.memory_space<vmem>>
    %dma_start3A_17 = tpu.memref_squeeze %dma_start3A_16 : memref<1x128x128xf32, #tpu.memory_space<vmem>> -> memref<128x128xf32, #tpu.memory_space<vmem>>
    %dma_start3A_18 = arith.constant 0 : i32
    %dma_start3A_19 = tpu.memref_slice %arg5[%dma_start3A_12, %dma_start3A_18] : memref<50x128xi32, #tpu.memory_space<vmem>> -> memref<1x128xi32, #tpu.memory_space<vmem>>
    %dma_start3A_20 = tpu.memref_squeeze %dma_start3A_19 : memref<1x128xi32, #tpu.memory_space<vmem>> -> memref<128xi32, #tpu.memory_space<vmem>>
    %dma_start3A_21 = arith.constant 0 : i32
    %dma_start3A_22 = arith.constant 0 : i32
    %dma_start3A_23 = tpu.memref_slice %arg3[%dma_start3A_21, %dma_start3A_22] : memref<100000x128xf32, #tpu.memory_space<hbm>> -> memref<100000x128xf32, #tpu.memory_space<hbm>>
    tpu.enqueue_indirect_dma source(%dma_start3A_23 : memref<100000x128xf32, #tpu.memory_space<hbm>>) target(%dma_start3A_17 : memref<128x128xf32, #tpu.memory_space<vmem>>) offsets(%dma_start3A_20 : memref<128xi32, #tpu.memory_space<vmem>>) semaphore(%arg7 : memref<!tpu.dma_semaphore, #tpu.memory_space<semaphore_mem>>)
    %dma_start3A_24 = arith.constant 1 : i32
    %dma_start3A_25 = arith.constant 1 : i32
    %dma_start3A_26 = arith.constant 0 : i32
    %dma_start3A_27 = arith.constant 0 : i32
    %dma_start3A_28 = tpu.memref_slice %arg6[%dma_start3A_25, %dma_start3A_26, %dma_start3A_27] : memref<5x128x128xf32, #tpu.memory_space<vmem>> -> memref<1x128x128xf32, #tpu.memory_space<vmem>>
    %dma_start3A_29 = tpu.memref_squeeze %dma_start3A_28 : memref<1x128x128xf32, #tpu.memory_space<vmem>> -> memref<128x128xf32, #tpu.memory_space<vmem>>
    %dma_start3A_30 = arith.constant 0 : i32
    %dma_start3A_31 = tpu.memref_slice %arg5[%dma_start3A_24, %dma_start3A_30] : memref<50x128xi32, #tpu.memory_space<vmem>> -> memref<1x128xi32, #tpu.memory_space<vmem>>
    %dma_start3A_32 = tpu.memref_squeeze %dma_start3A_31 : memref<1x128xi32, #tpu.memory_space<vmem>> -> memref<128xi32, #tpu.memory_space<vmem>>
    %dma_start3A_33 = arith.constant 0 : i32
    %dma_start3A_34 = arith.constant 0 : i32
    %dma_start3A_35 = tpu.memref_slice %arg3[%dma_start3A_33, %dma_start3A_34] : memref<100000x128xf32, #tpu.memory_space<hbm>> -> memref<100000x128xf32, #tpu.memory_space<hbm>>
    tpu.enqueue_indirect_dma source(%dma_start3A_35 : memref<100000x128xf32, #tpu.memory_space<hbm>>) target(%dma_start3A_29 : memref<128x128xf32, #tpu.memory_space<vmem>>) offsets(%dma_start3A_32 : memref<128xi32, #tpu.memory_space<vmem>>) semaphore(%arg8 : memref<!tpu.dma_semaphore, #tpu.memory_space<semaphore_mem>>)
    %dma_start3A_36 = arith.constant 2 : i32
    %dma_start3A_37 = arith.constant 2 : i32
    %dma_start3A_38 = arith.constant 0 : i32
    %dma_start3A_39 = arith.constant 0 : i32
    %dma_start3A_40 = tpu.memref_slice %arg6[%dma_start3A_37, %dma_start3A_38, %dma_start3A_39] : memref<5x128x128xf32, #tpu.memory_space<vmem>> -> memref<1x128x128xf32, #tpu.memory_space<vmem>>
    %dma_start3A_41 = tpu.memref_squeeze %dma_start3A_40 : memref<1x128x128xf32, #tpu.memory_space<vmem>> -> memref<128x128xf32, #tpu.memory_space<vmem>>
    %dma_start3A_42 = arith.constant 0 : i32
    %dma_start3A_43 = tpu.memref_slice %arg5[%dma_start3A_36, %dma_start3A_42] : memref<50x128xi32, #tpu.memory_space<vmem>> -> memref<1x128xi32, #tpu.memory_space<vmem>>
    %dma_start3A_44 = tpu.memref_squeeze %dma_start3A_43 : memref<1x128xi32, #tpu.memory_space<vmem>> -> memref<128xi32, #tpu.memory_space<vmem>>
    %dma_start3A_45 = arith.constant 0 : i32
    %dma_start3A_46 = arith.constant 0 : i32
    %dma_start3A_47 = tpu.memref_slice %arg3[%dma_start3A_45, %dma_start3A_46] : memref<100000x128xf32, #tpu.memory_space<hbm>> -> memref<100000x128xf32, #tpu.memory_space<hbm>>
    tpu.enqueue_indirect_dma source(%dma_start3A_47 : memref<100000x128xf32, #tpu.memory_space<hbm>>) target(%dma_start3A_41 : memref<128x128xf32, #tpu.memory_space<vmem>>) offsets(%dma_start3A_44 : memref<128xi32, #tpu.memory_space<vmem>>) semaphore(%arg9 : memref<!tpu.dma_semaphore, #tpu.memory_space<semaphore_mem>>)
    %dma_start3A_48 = arith.constant 3 : i32
    %dma_start3A_49 = arith.constant 3 : i32
    %dma_start3A_50 = arith.constant 0 : i32
    %dma_start3A_51 = arith.constant 0 : i32
    %dma_start3A_52 = tpu.memref_slice %arg6[%dma_start3A_49, %dma_start3A_50, %dma_start3A_51] : memref<5x128x128xf32, #tpu.memory_space<vmem>> -> memref<1x128x128xf32, #tpu.memory_space<vmem>>
    %dma_start3A_53 = tpu.memref_squeeze %dma_start3A_52 : memref<1x128x128xf32, #tpu.memory_space<vmem>> -> memref<128x128xf32, #tpu.memory_space<vmem>>
    %dma_start3A_54 = arith.constant 0 : i32
    %dma_start3A_55 = tpu.memref_slice %arg5[%dma_start3A_48, %dma_start3A_54] : memref<50x128xi32, #tpu.memory_space<vmem>> -> memref<1x128xi32, #tpu.memory_space<vmem>>
    %dma_start3A_56 = tpu.memref_squeeze %dma_start3A_55 : memref<1x128xi32, #tpu.memory_space<vmem>> -> memref<128xi32, #tpu.memory_space<vmem>>
    %dma_start3A_57 = arith.constant 0 : i32
    %dma_start3A_58 = arith.constant 0 : i32
    %dma_start3A_59 = tpu.memref_slice %arg3[%dma_start3A_57, %dma_start3A_58] : memref<100000x128xf32, #tpu.memory_space<hbm>> -> memref<100000x128xf32, #tpu.memory_space<hbm>>
    tpu.enqueue_indirect_dma source(%dma_start3A_59 : memref<100000x128xf32, #tpu.memory_space<hbm>>) target(%dma_start3A_53 : memref<128x128xf32, #tpu.memory_space<vmem>>) offsets(%dma_start3A_56 : memref<128xi32, #tpu.memory_space<vmem>>) semaphore(%arg10 : memref<!tpu.dma_semaphore, #tpu.memory_space<semaphore_mem>>)
    %dma_wait3A = arith.constant 8 : i32
    %dma_wait3A_60 = arith.constant 0 : i32
    %dma_wait3A_61 = tpu.memref_slice %arg5[%dma_wait3A, %dma_wait3A_60] : memref<50x128xi32, #tpu.memory_space<vmem>> -> memref<42x128xi32, #tpu.memory_space<vmem>>
    %dma_wait3A_62 = arith.constant 8 : i32
    %dma_wait3A_63 = tpu.memref_slice %arg2[%dma_wait3A_62, %mul3A_2] : memref<50x4096xi32, #tpu.memory_space<hbm>> -> memref<42x128xi32, #tpu.memory_space<hbm>>
    %dma_wait3A_64 = arith.constant 8 : i32
    %dma_wait3A_65 = arith.constant 0 : i32
    %dma_wait3A_66 = tpu.memref_slice %arg5[%dma_wait3A_64, %dma_wait3A_65] : memref<50x128xi32, #tpu.memory_space<vmem>> -> memref<42x128xi32, #tpu.memory_space<vmem>>
    %dma_wait3A_67 = arith.constant 8 : i32
    %dma_wait3A_68 = tpu.memref_slice %arg2[%dma_wait3A_67, %mul3A_2] : memref<50x4096xi32, #tpu.memory_space<hbm>> -> memref<42x128xi32, #tpu.memory_space<hbm>>
    tpu.wait_dma2 semaphore(%arg17 : memref<!tpu.dma_semaphore, #tpu.memory_space<semaphore_mem>>) src(%dma_wait3A_68 : memref<42x128xi32, #tpu.memory_space<hbm>>) dst(%dma_wait3A_66 : memref<42x128xi32, #tpu.memory_space<vmem>>)
    %scan3A = arith.constant 0 : i32
    %scan3A_69 = arith.constant 0 : i32
    %scan3A_70 = arith.constant 10 : i32
    %scan3A_71 = arith.addi %scan3A_69, %scan3A_70 : i32
    %scan3A_72 = arith.constant 1 : i32
    %scan3A_73 = scf.for %scan3A_150 = %scan3A_69 to %scan3A_71 step %scan3A_72 iter_args(%scan3A_151 = %scan3A) -> (i32)  : i32 {
      %mul3A_152 = arith.constant 5 : i32
      %mul3A_153 = arith.muli %scan3A_150, %mul3A_152 : i32
      %add3A_154 = arith.constant 0 : i32
      %add3A_155 = arith.addi %mul3A_153, %add3A_154 : i32
      %add3A_156 = arith.constant 4 : i32
      %add3A_157 = arith.addi %add3A_155, %add3A_156 : i32
      %sub3A = arith.constant 5 : i32
      %sub3A_158 = arith.subi %add3A_157, %sub3A : i32
      %ge3A = arith.constant 0 : i32
      %ge3A_159 = arith.cmpi sge, %sub3A_158, %ge3A : i32
      %lt3A = arith.constant 50 : i32
      %lt3A_160 = arith.cmpi slt, %add3A_157, %lt3A : i32
      %and3A = arith.andi %ge3A_159, %lt3A_160 : i1
      %convert_element_type3A = arith.extui %and3A : i1 to i32
      %cond3A = arith.constant 0 : i32
      %cond3A_161 = arith.cmpi ne, %convert_element_type3A, %cond3A : i32
      scf.if %cond3A_161 {
        %mul3A_379 = arith.constant 4096 : i32
        %mul3A_380 = arith.muli %sub3A_158, %mul3A_379 : i32
        %add3A_381 = arith.addi %mul3A_380, %mul3A_2 : i32
        %dma_wait3A_382 = arith.constant 4 : i32
        %dma_wait3A_383 = arith.constant 0 : i32
        %dma_wait3A_384 = arith.constant 0 : i32
        %dma_wait3A_385 = tpu.memref_slice %arg6[%dma_wait3A_382, %dma_wait3A_383, %dma_wait3A_384] : memref<5x128x128xf32, #tpu.memory_space<vmem>> -> memref<1x128x128xf32, #tpu.memory_space<vmem>>
        %dma_wait3A_386 = tpu.memref_squeeze %dma_wait3A_385 : memref<1x128x128xf32, #tpu.memory_space<vmem>> -> memref<128x128xf32, #tpu.memory_space<vmem>>
        %dma_wait3A_387 = arith.constant 0 : i32
        %dma_wait3A_388 = tpu.memref_slice %arg4[%add3A_381, %dma_wait3A_387] : memref<204800x128xf32, #tpu.memory_space<hbm>> -> memref<128x128xf32, #tpu.memory_space<hbm>>
        %dma_wait3A_389 = arith.constant 0 : i32
        %dma_wait3A_390 = tpu.memref_slice %arg4[%add3A_381, %dma_wait3A_389] : memref<204800x128xf32, #tpu.memory_space<hbm>> -> memref<128x128xf32, #tpu.memory_space<hbm>>
        %dma_wait3A_391 = arith.constant 0 : i32
        %dma_wait3A_392 = arith.constant 0 : i32
        %dma_wait3A_393 = tpu.memref_slice %arg6[%dma_wait3A_382, %dma_wait3A_391, %dma_wait3A_392] : memref<5x128x128xf32, #tpu.memory_space<vmem>> -> memref<1x128x128xf32, #tpu.memory_space<vmem>>
        %dma_wait3A_394 = tpu.memref_squeeze %dma_wait3A_393 : memref<1x128x128xf32, #tpu.memory_space<vmem>> -> memref<128x128xf32, #tpu.memory_space<vmem>>
        tpu.wait_dma2 semaphore(%arg16 : memref<!tpu.dma_semaphore, #tpu.memory_space<semaphore_mem>>) src(%dma_wait3A_394 : memref<128x128xf32, #tpu.memory_space<vmem>>) dst(%dma_wait3A_390 : memref<128x128xf32, #tpu.memory_space<hbm>>)
      } else {
      }
      %lt3A_162 = arith.constant 50 : i32
      %lt3A_163 = arith.cmpi slt, %add3A_157, %lt3A_162 : i32
      %convert_element_type3A_164 = arith.extui %lt3A_163 : i1 to i32
      %cond3A_165 = arith.constant 0 : i32
      %cond3A_166 = arith.cmpi ne, %convert_element_type3A_164, %cond3A_165 : i32
      scf.if %cond3A_166 {
        %dma_start3A_379 = arith.constant 4 : i32
        %dma_start3A_380 = arith.constant 0 : i32
        %dma_start3A_381 = arith.constant 0 : i32
        %dma_start3A_382 = tpu.memref_slice %arg6[%dma_start3A_379, %dma_start3A_380, %dma_start3A_381] : memref<5x128x128xf32, #tpu.memory_space<vmem>> -> memref<1x128x128xf32, #tpu.memory_space<vmem>>
        %dma_start3A_383 = tpu.memref_squeeze %dma_start3A_382 : memref<1x128x128xf32, #tpu.memory_space<vmem>> -> memref<128x128xf32, #tpu.memory_space<vmem>>
        %dma_start3A_384 = arith.constant 0 : i32
        %dma_start3A_385 = tpu.memref_slice %arg5[%add3A_157, %dma_start3A_384] : memref<50x128xi32, #tpu.memory_space<vmem>> -> memref<1x128xi32, #tpu.memory_space<vmem>>
        %dma_start3A_386 = tpu.memref_squeeze %dma_start3A_385 : memref<1x128xi32, #tpu.memory_space<vmem>> -> memref<128xi32, #tpu.memory_space<vmem>>
        %dma_start3A_387 = arith.constant 0 : i32
        %dma_start3A_388 = arith.constant 0 : i32
        %dma_start3A_389 = tpu.memref_slice %arg3[%dma_start3A_387, %dma_start3A_388] : memref<100000x128xf32, #tpu.memory_space<hbm>> -> memref<100000x128xf32, #tpu.memory_space<hbm>>
        tpu.enqueue_indirect_dma source(%dma_start3A_389 : memref<100000x128xf32, #tpu.memory_space<hbm>>) target(%dma_start3A_383 : memref<128x128xf32, #tpu.memory_space<vmem>>) offsets(%dma_start3A_386 : memref<128xi32, #tpu.memory_space<vmem>>) semaphore(%arg11 : memref<!tpu.dma_semaphore, #tpu.memory_space<semaphore_mem>>)
      } else {
      }
      %dma_wait3A_167 = arith.constant 0 : i32
      %dma_wait3A_168 = arith.constant 0 : i32
      %dma_wait3A_169 = arith.constant 0 : i32
      %dma_wait3A_170 = tpu.memref_slice %arg6[%dma_wait3A_167, %dma_wait3A_168, %dma_wait3A_169] : memref<5x128x128xf32, #tpu.memory_space<vmem>> -> memref<1x128x128xf32, #tpu.memory_space<vmem>>
      %dma_wait3A_171 = tpu.memref_squeeze %dma_wait3A_170 : memref<1x128x128xf32, #tpu.memory_space<vmem>> -> memref<128x128xf32, #tpu.memory_space<vmem>>
      %dma_wait3A_172 = arith.constant 0 : i32
      %dma_wait3A_173 = tpu.memref_slice %arg5[%add3A_155, %dma_wait3A_172] : memref<50x128xi32, #tpu.memory_space<vmem>> -> memref<1x128xi32, #tpu.memory_space<vmem>>
      %dma_wait3A_174 = tpu.memref_squeeze %dma_wait3A_173 : memref<1x128xi32, #tpu.memory_space<vmem>> -> memref<128xi32, #tpu.memory_space<vmem>>
      %dma_wait3A_175 = arith.constant 0 : i32
      %dma_wait3A_176 = arith.constant 0 : i32
      %dma_wait3A_177 = tpu.memref_slice %arg3[%dma_wait3A_175, %dma_wait3A_176] : memref<100000x128xf32, #tpu.memory_space<hbm>> -> memref<100000x128xf32, #tpu.memory_space<hbm>>
      tpu.wait_indirect_dma semaphore(%arg7 : memref<!tpu.dma_semaphore, #tpu.memory_space<semaphore_mem>>) src(%dma_wait3A_177 : memref<100000x128xf32, #tpu.memory_space<hbm>>) dst(%dma_wait3A_171 : memref<128x128xf32, #tpu.memory_space<vmem>>)
      %mul3A_178 = arith.constant 4096 : i32
      %mul3A_179 = arith.muli %add3A_155, %mul3A_178 : i32
      %add3A_180 = arith.addi %mul3A_179, %mul3A_2 : i32
      %dma_start3A_181 = arith.constant 0 : i32
      %dma_start3A_182 = arith.constant 0 : i32
      %dma_start3A_183 = arith.constant 0 : i32
      %dma_start3A_184 = tpu.memref_slice %arg6[%dma_start3A_181, %dma_start3A_182, %dma_start3A_183] : memref<5x128x128xf32, #tpu.memory_space<vmem>> -> memref<1x128x128xf32, #tpu.memory_space<vmem>>
      %dma_start3A_185 = tpu.memref_squeeze %dma_start3A_184 : memref<1x128x128xf32, #tpu.memory_space<vmem>> -> memref<128x128xf32, #tpu.memory_space<vmem>>
      %dma_start3A_186 = arith.constant 0 : i32
      %dma_start3A_187 = tpu.memref_slice %arg4[%add3A_180, %dma_start3A_186] : memref<204800x128xf32, #tpu.memory_space<hbm>> -> memref<128x128xf32, #tpu.memory_space<hbm>>
      %dma_start3A_188 = arith.constant 0 : i32
      %dma_start3A_189 = tpu.memref_slice %arg4[%add3A_180, %dma_start3A_188] : memref<204800x128xf32, #tpu.memory_space<hbm>> -> memref<128x128xf32, #tpu.memory_space<hbm>>
      %dma_start3A_190 = arith.constant 0 : i32
      %dma_start3A_191 = arith.constant 0 : i32
      %dma_start3A_192 = tpu.memref_slice %arg6[%dma_start3A_181, %dma_start3A_190, %dma_start3A_191] : memref<5x128x128xf32, #tpu.memory_space<vmem>> -> memref<1x128x128xf32, #tpu.memory_space<vmem>>
      %dma_start3A_193 = tpu.memref_squeeze %dma_start3A_192 : memref<1x128x128xf32, #tpu.memory_space<vmem>> -> memref<128x128xf32, #tpu.memory_space<vmem>>
      tpu.enqueue_dma source(%dma_start3A_193 : memref<128x128xf32, #tpu.memory_space<vmem>>) target(%dma_start3A_189 : memref<128x128xf32, #tpu.memory_space<hbm>>) target_semaphore(%arg12 : memref<!tpu.dma_semaphore, #tpu.memory_space<semaphore_mem>>)
      %add3A_194 = arith.constant 1 : i32
      %add3A_195 = arith.addi %mul3A_153, %add3A_194 : i32
      %add3A_196 = arith.constant 4 : i32
      %add3A_197 = arith.addi %add3A_195, %add3A_196 : i32
      %sub3A_198 = arith.constant 5 : i32
      %sub3A_199 = arith.subi %add3A_197, %sub3A_198 : i32
      %ge3A_200 = arith.constant 0 : i32
      %ge3A_201 = arith.cmpi sge, %sub3A_199, %ge3A_200 : i32
      %lt3A_202 = arith.constant 50 : i32
      %lt3A_203 = arith.cmpi slt, %add3A_197, %lt3A_202 : i32
      %and3A_204 = arith.andi %ge3A_201, %lt3A_203 : i1
      %convert_element_type3A_205 = arith.extui %and3A_204 : i1 to i32
      %cond3A_206 = arith.constant 0 : i32
      %cond3A_207 = arith.cmpi ne, %convert_element_type3A_205, %cond3A_206 : i32
      scf.if %cond3A_207 {
        %mul3A_379 = arith.constant 4096 : i32
        %mul3A_380 = arith.muli %sub3A_199, %mul3A_379 : i32
        %add3A_381 = arith.addi %mul3A_380, %mul3A_2 : i32
        %dma_wait3A_382 = arith.constant 0 : i32
        %dma_wait3A_383 = arith.constant 0 : i32
        %dma_wait3A_384 = arith.constant 0 : i32
        %dma_wait3A_385 = tpu.memref_slice %arg6[%dma_wait3A_382, %dma_wait3A_383, %dma_wait3A_384] : memref<5x128x128xf32, #tpu.memory_space<vmem>> -> memref<1x128x128xf32, #tpu.memory_space<vmem>>
        %dma_wait3A_386 = tpu.memref_squeeze %dma_wait3A_385 : memref<1x128x128xf32, #tpu.memory_space<vmem>> -> memref<128x128xf32, #tpu.memory_space<vmem>>
        %dma_wait3A_387 = arith.constant 0 : i32
        %dma_wait3A_388 = tpu.memref_slice %arg4[%add3A_381, %dma_wait3A_387] : memref<204800x128xf32, #tpu.memory_space<hbm>> -> memref<128x128xf32, #tpu.memory_space<hbm>>
        %dma_wait3A_389 = arith.constant 0 : i32
        %dma_wait3A_390 = tpu.memref_slice %arg4[%add3A_381, %dma_wait3A_389] : memref<204800x128xf32, #tpu.memory_space<hbm>> -> memref<128x128xf32, #tpu.memory_space<hbm>>
        %dma_wait3A_391 = arith.constant 0 : i32
        %dma_wait3A_392 = arith.constant 0 : i32
        %dma_wait3A_393 = tpu.memref_slice %arg6[%dma_wait3A_382, %dma_wait3A_391, %dma_wait3A_392] : memref<5x128x128xf32, #tpu.memory_space<vmem>> -> memref<1x128x128xf32, #tpu.memory_space<vmem>>
        %dma_wait3A_394 = tpu.memref_squeeze %dma_wait3A_393 : memref<1x128x128xf32, #tpu.memory_space<vmem>> -> memref<128x128xf32, #tpu.memory_space<vmem>>
        tpu.wait_dma2 semaphore(%arg12 : memref<!tpu.dma_semaphore, #tpu.memory_space<semaphore_mem>>) src(%dma_wait3A_394 : memref<128x128xf32, #tpu.memory_space<vmem>>) dst(%dma_wait3A_390 : memref<128x128xf32, #tpu.memory_space<hbm>>)
      } else {
      }
      %lt3A_208 = arith.constant 50 : i32
      %lt3A_209 = arith.cmpi slt, %add3A_197, %lt3A_208 : i32
      %convert_element_type3A_210 = arith.extui %lt3A_209 : i1 to i32
      %cond3A_211 = arith.constant 0 : i32
      %cond3A_212 = arith.cmpi ne, %convert_element_type3A_210, %cond3A_211 : i32
      scf.if %cond3A_212 {
        %dma_start3A_379 = arith.constant 0 : i32
        %dma_start3A_380 = arith.constant 0 : i32
        %dma_start3A_381 = arith.constant 0 : i32
        %dma_start3A_382 = tpu.memref_slice %arg6[%dma_start3A_379, %dma_start3A_380, %dma_start3A_381] : memref<5x128x128xf32, #tpu.memory_space<vmem>> -> memref<1x128x128xf32, #tpu.memory_space<vmem>>
        %dma_start3A_383 = tpu.memref_squeeze %dma_start3A_382 : memref<1x128x128xf32, #tpu.memory_space<vmem>> -> memref<128x128xf32, #tpu.memory_space<vmem>>
        %dma_start3A_384 = arith.constant 0 : i32
        %dma_start3A_385 = tpu.memref_slice %arg5[%add3A_197, %dma_start3A_384] : memref<50x128xi32, #tpu.memory_space<vmem>> -> memref<1x128xi32, #tpu.memory_space<vmem>>
        %dma_start3A_386 = tpu.memref_squeeze %dma_start3A_385 : memref<1x128xi32, #tpu.memory_space<vmem>> -> memref<128xi32, #tpu.memory_space<vmem>>
        %dma_start3A_387 = arith.constant 0 : i32
        %dma_start3A_388 = arith.constant 0 : i32
        %dma_start3A_389 = tpu.memref_slice %arg3[%dma_start3A_387, %dma_start3A_388] : memref<100000x128xf32, #tpu.memory_space<hbm>> -> memref<100000x128xf32, #tpu.memory_space<hbm>>
        tpu.enqueue_indirect_dma source(%dma_start3A_389 : memref<100000x128xf32, #tpu.memory_space<hbm>>) target(%dma_start3A_383 : memref<128x128xf32, #tpu.memory_space<vmem>>) offsets(%dma_start3A_386 : memref<128xi32, #tpu.memory_space<vmem>>) semaphore(%arg7 : memref<!tpu.dma_semaphore, #tpu.memory_space<semaphore_mem>>)
      } else {
      }
      %dma_wait3A_213 = arith.constant 1 : i32
      %dma_wait3A_214 = arith.constant 0 : i32
      %dma_wait3A_215 = arith.constant 0 : i32
      %dma_wait3A_216 = tpu.memref_slice %arg6[%dma_wait3A_213, %dma_wait3A_214, %dma_wait3A_215] : memref<5x128x128xf32, #tpu.memory_space<vmem>> -> memref<1x128x128xf32, #tpu.memory_space<vmem>>
      %dma_wait3A_217 = tpu.memref_squeeze %dma_wait3A_216 : memref<1x128x128xf32, #tpu.memory_space<vmem>> -> memref<128x128xf32, #tpu.memory_space<vmem>>
      %dma_wait3A_218 = arith.constant 0 : i32
      %dma_wait3A_219 = tpu.memref_slice %arg5[%add3A_195, %dma_wait3A_218] : memref<50x128xi32, #tpu.memory_space<vmem>> -> memref<1x128xi32, #tpu.memory_space<vmem>>
      %dma_wait3A_220 = tpu.memref_squeeze %dma_wait3A_219 : memref<1x128xi32, #tpu.memory_space<vmem>> -> memref<128xi32, #tpu.memory_space<vmem>>
      %dma_wait3A_221 = arith.constant 0 : i32
      %dma_wait3A_222 = arith.constant 0 : i32
      %dma_wait3A_223 = tpu.memref_slice %arg3[%dma_wait3A_221, %dma_wait3A_222] : memref<100000x128xf32, #tpu.memory_space<hbm>> -> memref<100000x128xf32, #tpu.memory_space<hbm>>
      tpu.wait_indirect_dma semaphore(%arg8 : memref<!tpu.dma_semaphore, #tpu.memory_space<semaphore_mem>>) src(%dma_wait3A_223 : memref<100000x128xf32, #tpu.memory_space<hbm>>) dst(%dma_wait3A_217 : memref<128x128xf32, #tpu.memory_space<vmem>>)
      %mul3A_224 = arith.constant 4096 : i32
      %mul3A_225 = arith.muli %add3A_195, %mul3A_224 : i32
      %add3A_226 = arith.addi %mul3A_225, %mul3A_2 : i32
      %dma_start3A_227 = arith.constant 1 : i32
      %dma_start3A_228 = arith.constant 0 : i32
      %dma_start3A_229 = arith.constant 0 : i32
      %dma_start3A_230 = tpu.memref_slice %arg6[%dma_start3A_227, %dma_start3A_228, %dma_start3A_229] : memref<5x128x128xf32, #tpu.memory_space<vmem>> -> memref<1x128x128xf32, #tpu.memory_space<vmem>>
      %dma_start3A_231 = tpu.memref_squeeze %dma_start3A_230 : memref<1x128x128xf32, #tpu.memory_space<vmem>> -> memref<128x128xf32, #tpu.memory_space<vmem>>
      %dma_start3A_232 = arith.constant 0 : i32
      %dma_start3A_233 = tpu.memref_slice %arg4[%add3A_226, %dma_start3A_232] : memref<204800x128xf32, #tpu.memory_space<hbm>> -> memref<128x128xf32, #tpu.memory_space<hbm>>
      %dma_start3A_234 = arith.constant 0 : i32
      %dma_start3A_235 = tpu.memref_slice %arg4[%add3A_226, %dma_start3A_234] : memref<204800x128xf32, #tpu.memory_space<hbm>> -> memref<128x128xf32, #tpu.memory_space<hbm>>
      %dma_start3A_236 = arith.constant 0 : i32
      %dma_start3A_237 = arith.constant 0 : i32
      %dma_start3A_238 = tpu.memref_slice %arg6[%dma_start3A_227, %dma_start3A_236, %dma_start3A_237] : memref<5x128x128xf32, #tpu.memory_space<vmem>> -> memref<1x128x128xf32, #tpu.memory_space<vmem>>
      %dma_start3A_239 = tpu.memref_squeeze %dma_start3A_238 : memref<1x128x128xf32, #tpu.memory_space<vmem>> -> memref<128x128xf32, #tpu.memory_space<vmem>>
      tpu.enqueue_dma source(%dma_start3A_239 : memref<128x128xf32, #tpu.memory_space<vmem>>) target(%dma_start3A_235 : memref<128x128xf32, #tpu.memory_space<hbm>>) target_semaphore(%arg13 : memref<!tpu.dma_semaphore, #tpu.memory_space<semaphore_mem>>)
      %add3A_240 = arith.constant 2 : i32
      %add3A_241 = arith.addi %mul3A_153, %add3A_240 : i32
      %add3A_242 = arith.constant 4 : i32
      %add3A_243 = arith.addi %add3A_241, %add3A_242 : i32
      %sub3A_244 = arith.constant 5 : i32
      %sub3A_245 = arith.subi %add3A_243, %sub3A_244 : i32
      %ge3A_246 = arith.constant 0 : i32
      %ge3A_247 = arith.cmpi sge, %sub3A_245, %ge3A_246 : i32
      %lt3A_248 = arith.constant 50 : i32
      %lt3A_249 = arith.cmpi slt, %add3A_243, %lt3A_248 : i32
      %and3A_250 = arith.andi %ge3A_247, %lt3A_249 : i1
      %convert_element_type3A_251 = arith.extui %and3A_250 : i1 to i32
      %cond3A_252 = arith.constant 0 : i32
      %cond3A_253 = arith.cmpi ne, %convert_element_type3A_251, %cond3A_252 : i32
      scf.if %cond3A_253 {
        %mul3A_379 = arith.constant 4096 : i32
        %mul3A_380 = arith.muli %sub3A_245, %mul3A_379 : i32
        %add3A_381 = arith.addi %mul3A_380, %mul3A_2 : i32
        %dma_wait3A_382 = arith.constant 1 : i32
        %dma_wait3A_383 = arith.constant 0 : i32
        %dma_wait3A_384 = arith.constant 0 : i32
        %dma_wait3A_385 = tpu.memref_slice %arg6[%dma_wait3A_382, %dma_wait3A_383, %dma_wait3A_384] : memref<5x128x128xf32, #tpu.memory_space<vmem>> -> memref<1x128x128xf32, #tpu.memory_space<vmem>>
        %dma_wait3A_386 = tpu.memref_squeeze %dma_wait3A_385 : memref<1x128x128xf32, #tpu.memory_space<vmem>> -> memref<128x128xf32, #tpu.memory_space<vmem>>
        %dma_wait3A_387 = arith.constant 0 : i32
        %dma_wait3A_388 = tpu.memref_slice %arg4[%add3A_381, %dma_wait3A_387] : memref<204800x128xf32, #tpu.memory_space<hbm>> -> memref<128x128xf32, #tpu.memory_space<hbm>>
        %dma_wait3A_389 = arith.constant 0 : i32
        %dma_wait3A_390 = tpu.memref_slice %arg4[%add3A_381, %dma_wait3A_389] : memref<204800x128xf32, #tpu.memory_space<hbm>> -> memref<128x128xf32, #tpu.memory_space<hbm>>
        %dma_wait3A_391 = arith.constant 0 : i32
        %dma_wait3A_392 = arith.constant 0 : i32
        %dma_wait3A_393 = tpu.memref_slice %arg6[%dma_wait3A_382, %dma_wait3A_391, %dma_wait3A_392] : memref<5x128x128xf32, #tpu.memory_space<vmem>> -> memref<1x128x128xf32, #tpu.memory_space<vmem>>
        %dma_wait3A_394 = tpu.memref_squeeze %dma_wait3A_393 : memref<1x128x128xf32, #tpu.memory_space<vmem>> -> memref<128x128xf32, #tpu.memory_space<vmem>>
        tpu.wait_dma2 semaphore(%arg13 : memref<!tpu.dma_semaphore, #tpu.memory_space<semaphore_mem>>) src(%dma_wait3A_394 : memref<128x128xf32, #tpu.memory_space<vmem>>) dst(%dma_wait3A_390 : memref<128x128xf32, #tpu.memory_space<hbm>>)
      } else {
      }
      %lt3A_254 = arith.constant 50 : i32
      %lt3A_255 = arith.cmpi slt, %add3A_243, %lt3A_254 : i32
      %convert_element_type3A_256 = arith.extui %lt3A_255 : i1 to i32
      %cond3A_257 = arith.constant 0 : i32
      %cond3A_258 = arith.cmpi ne, %convert_element_type3A_256, %cond3A_257 : i32
      scf.if %cond3A_258 {
        %dma_start3A_379 = arith.constant 1 : i32
        %dma_start3A_380 = arith.constant 0 : i32
        %dma_start3A_381 = arith.constant 0 : i32
        %dma_start3A_382 = tpu.memref_slice %arg6[%dma_start3A_379, %dma_start3A_380, %dma_start3A_381] : memref<5x128x128xf32, #tpu.memory_space<vmem>> -> memref<1x128x128xf32, #tpu.memory_space<vmem>>
        %dma_start3A_383 = tpu.memref_squeeze %dma_start3A_382 : memref<1x128x128xf32, #tpu.memory_space<vmem>> -> memref<128x128xf32, #tpu.memory_space<vmem>>
        %dma_start3A_384 = arith.constant 0 : i32
        %dma_start3A_385 = tpu.memref_slice %arg5[%add3A_243, %dma_start3A_384] : memref<50x128xi32, #tpu.memory_space<vmem>> -> memref<1x128xi32, #tpu.memory_space<vmem>>
        %dma_start3A_386 = tpu.memref_squeeze %dma_start3A_385 : memref<1x128xi32, #tpu.memory_space<vmem>> -> memref<128xi32, #tpu.memory_space<vmem>>
        %dma_start3A_387 = arith.constant 0 : i32
        %dma_start3A_388 = arith.constant 0 : i32
        %dma_start3A_389 = tpu.memref_slice %arg3[%dma_start3A_387, %dma_start3A_388] : memref<100000x128xf32, #tpu.memory_space<hbm>> -> memref<100000x128xf32, #tpu.memory_space<hbm>>
        tpu.enqueue_indirect_dma source(%dma_start3A_389 : memref<100000x128xf32, #tpu.memory_space<hbm>>) target(%dma_start3A_383 : memref<128x128xf32, #tpu.memory_space<vmem>>) offsets(%dma_start3A_386 : memref<128xi32, #tpu.memory_space<vmem>>) semaphore(%arg8 : memref<!tpu.dma_semaphore, #tpu.memory_space<semaphore_mem>>)
      } else {
      }
      %dma_wait3A_259 = arith.constant 2 : i32
      %dma_wait3A_260 = arith.constant 0 : i32
      %dma_wait3A_261 = arith.constant 0 : i32
      %dma_wait3A_262 = tpu.memref_slice %arg6[%dma_wait3A_259, %dma_wait3A_260, %dma_wait3A_261] : memref<5x128x128xf32, #tpu.memory_space<vmem>> -> memref<1x128x128xf32, #tpu.memory_space<vmem>>
      %dma_wait3A_263 = tpu.memref_squeeze %dma_wait3A_262 : memref<1x128x128xf32, #tpu.memory_space<vmem>> -> memref<128x128xf32, #tpu.memory_space<vmem>>
      %dma_wait3A_264 = arith.constant 0 : i32
      %dma_wait3A_265 = tpu.memref_slice %arg5[%add3A_241, %dma_wait3A_264] : memref<50x128xi32, #tpu.memory_space<vmem>> -> memref<1x128xi32, #tpu.memory_space<vmem>>
      %dma_wait3A_266 = tpu.memref_squeeze %dma_wait3A_265 : memref<1x128xi32, #tpu.memory_space<vmem>> -> memref<128xi32, #tpu.memory_space<vmem>>
      %dma_wait3A_267 = arith.constant 0 : i32
      %dma_wait3A_268 = arith.constant 0 : i32
      %dma_wait3A_269 = tpu.memref_slice %arg3[%dma_wait3A_267, %dma_wait3A_268] : memref<100000x128xf32, #tpu.memory_space<hbm>> -> memref<100000x128xf32, #tpu.memory_space<hbm>>
      tpu.wait_indirect_dma semaphore(%arg9 : memref<!tpu.dma_semaphore, #tpu.memory_space<semaphore_mem>>) src(%dma_wait3A_269 : memref<100000x128xf32, #tpu.memory_space<hbm>>) dst(%dma_wait3A_263 : memref<128x128xf32, #tpu.memory_space<vmem>>)
      %mul3A_270 = arith.constant 4096 : i32
      %mul3A_271 = arith.muli %add3A_241, %mul3A_270 : i32
      %add3A_272 = arith.addi %mul3A_271, %mul3A_2 : i32
      %dma_start3A_273 = arith.constant 2 : i32
      %dma_start3A_274 = arith.constant 0 : i32
      %dma_start3A_275 = arith.constant 0 : i32
      %dma_start3A_276 = tpu.memref_slice %arg6[%dma_start3A_273, %dma_start3A_274, %dma_start3A_275] : memref<5x128x128xf32, #tpu.memory_space<vmem>> -> memref<1x128x128xf32, #tpu.memory_space<vmem>>
      %dma_start3A_277 = tpu.memref_squeeze %dma_start3A_276 : memref<1x128x128xf32, #tpu.memory_space<vmem>> -> memref<128x128xf32, #tpu.memory_space<vmem>>
      %dma_start3A_278 = arith.constant 0 : i32
      %dma_start3A_279 = tpu.memref_slice %arg4[%add3A_272, %dma_start3A_278] : memref<204800x128xf32, #tpu.memory_space<hbm>> -> memref<128x128xf32, #tpu.memory_space<hbm>>
      %dma_start3A_280 = arith.constant 0 : i32
      %dma_start3A_281 = tpu.memref_slice %arg4[%add3A_272, %dma_start3A_280] : memref<204800x128xf32, #tpu.memory_space<hbm>> -> memref<128x128xf32, #tpu.memory_space<hbm>>
      %dma_start3A_282 = arith.constant 0 : i32
      %dma_start3A_283 = arith.constant 0 : i32
      %dma_start3A_284 = tpu.memref_slice %arg6[%dma_start3A_273, %dma_start3A_282, %dma_start3A_283] : memref<5x128x128xf32, #tpu.memory_space<vmem>> -> memref<1x128x128xf32, #tpu.memory_space<vmem>>
      %dma_start3A_285 = tpu.memref_squeeze %dma_start3A_284 : memref<1x128x128xf32, #tpu.memory_space<vmem>> -> memref<128x128xf32, #tpu.memory_space<vmem>>
      tpu.enqueue_dma source(%dma_start3A_285 : memref<128x128xf32, #tpu.memory_space<vmem>>) target(%dma_start3A_281 : memref<128x128xf32, #tpu.memory_space<hbm>>) target_semaphore(%arg14 : memref<!tpu.dma_semaphore, #tpu.memory_space<semaphore_mem>>)
      %add3A_286 = arith.constant 3 : i32
      %add3A_287 = arith.addi %mul3A_153, %add3A_286 : i32
      %add3A_288 = arith.constant 4 : i32
      %add3A_289 = arith.addi %add3A_287, %add3A_288 : i32
      %sub3A_290 = arith.constant 5 : i32
      %sub3A_291 = arith.subi %add3A_289, %sub3A_290 : i32
      %ge3A_292 = arith.constant 0 : i32
      %ge3A_293 = arith.cmpi sge, %sub3A_291, %ge3A_292 : i32
      %lt3A_294 = arith.constant 50 : i32
      %lt3A_295 = arith.cmpi slt, %add3A_289, %lt3A_294 : i32
      %and3A_296 = arith.andi %ge3A_293, %lt3A_295 : i1
      %convert_element_type3A_297 = arith.extui %and3A_296 : i1 to i32
      %cond3A_298 = arith.constant 0 : i32
      %cond3A_299 = arith.cmpi ne, %convert_element_type3A_297, %cond3A_298 : i32
      scf.if %cond3A_299 {
        %mul3A_379 = arith.constant 4096 : i32
        %mul3A_380 = arith.muli %sub3A_291, %mul3A_379 : i32
        %add3A_381 = arith.addi %mul3A_380, %mul3A_2 : i32
        %dma_wait3A_382 = arith.constant 2 : i32
        %dma_wait3A_383 = arith.constant 0 : i32
        %dma_wait3A_384 = arith.constant 0 : i32
        %dma_wait3A_385 = tpu.memref_slice %arg6[%dma_wait3A_382, %dma_wait3A_383, %dma_wait3A_384] : memref<5x128x128xf32, #tpu.memory_space<vmem>> -> memref<1x128x128xf32, #tpu.memory_space<vmem>>
        %dma_wait3A_386 = tpu.memref_squeeze %dma_wait3A_385 : memref<1x128x128xf32, #tpu.memory_space<vmem>> -> memref<128x128xf32, #tpu.memory_space<vmem>>
        %dma_wait3A_387 = arith.constant 0 : i32
        %dma_wait3A_388 = tpu.memref_slice %arg4[%add3A_381, %dma_wait3A_387] : memref<204800x128xf32, #tpu.memory_space<hbm>> -> memref<128x128xf32, #tpu.memory_space<hbm>>
        %dma_wait3A_389 = arith.constant 0 : i32
        %dma_wait3A_390 = tpu.memref_slice %arg4[%add3A_381, %dma_wait3A_389] : memref<204800x128xf32, #tpu.memory_space<hbm>> -> memref<128x128xf32, #tpu.memory_space<hbm>>
        %dma_wait3A_391 = arith.constant 0 : i32
        %dma_wait3A_392 = arith.constant 0 : i32
        %dma_wait3A_393 = tpu.memref_slice %arg6[%dma_wait3A_382, %dma_wait3A_391, %dma_wait3A_392] : memref<5x128x128xf32, #tpu.memory_space<vmem>> -> memref<1x128x128xf32, #tpu.memory_space<vmem>>
        %dma_wait3A_394 = tpu.memref_squeeze %dma_wait3A_393 : memref<1x128x128xf32, #tpu.memory_space<vmem>> -> memref<128x128xf32, #tpu.memory_space<vmem>>
        tpu.wait_dma2 semaphore(%arg14 : memref<!tpu.dma_semaphore, #tpu.memory_space<semaphore_mem>>) src(%dma_wait3A_394 : memref<128x128xf32, #tpu.memory_space<vmem>>) dst(%dma_wait3A_390 : memref<128x128xf32, #tpu.memory_space<hbm>>)
      } else {
      }
      %lt3A_300 = arith.constant 50 : i32
      %lt3A_301 = arith.cmpi slt, %add3A_289, %lt3A_300 : i32
      %convert_element_type3A_302 = arith.extui %lt3A_301 : i1 to i32
      %cond3A_303 = arith.constant 0 : i32
      %cond3A_304 = arith.cmpi ne, %convert_element_type3A_302, %cond3A_303 : i32
      scf.if %cond3A_304 {
        %dma_start3A_379 = arith.constant 2 : i32
        %dma_start3A_380 = arith.constant 0 : i32
        %dma_start3A_381 = arith.constant 0 : i32
        %dma_start3A_382 = tpu.memref_slice %arg6[%dma_start3A_379, %dma_start3A_380, %dma_start3A_381] : memref<5x128x128xf32, #tpu.memory_space<vmem>> -> memref<1x128x128xf32, #tpu.memory_space<vmem>>
        %dma_start3A_383 = tpu.memref_squeeze %dma_start3A_382 : memref<1x128x128xf32, #tpu.memory_space<vmem>> -> memref<128x128xf32, #tpu.memory_space<vmem>>
        %dma_start3A_384 = arith.constant 0 : i32
        %dma_start3A_385 = tpu.memref_slice %arg5[%add3A_289, %dma_start3A_384] : memref<50x128xi32, #tpu.memory_space<vmem>> -> memref<1x128xi32, #tpu.memory_space<vmem>>
        %dma_start3A_386 = tpu.memref_squeeze %dma_start3A_385 : memref<1x128xi32, #tpu.memory_space<vmem>> -> memref<128xi32, #tpu.memory_space<vmem>>
        %dma_start3A_387 = arith.constant 0 : i32
        %dma_start3A_388 = arith.constant 0 : i32
        %dma_start3A_389 = tpu.memref_slice %arg3[%dma_start3A_387, %dma_start3A_388] : memref<100000x128xf32, #tpu.memory_space<hbm>> -> memref<100000x128xf32, #tpu.memory_space<hbm>>
        tpu.enqueue_indirect_dma source(%dma_start3A_389 : memref<100000x128xf32, #tpu.memory_space<hbm>>) target(%dma_start3A_383 : memref<128x128xf32, #tpu.memory_space<vmem>>) offsets(%dma_start3A_386 : memref<128xi32, #tpu.memory_space<vmem>>) semaphore(%arg9 : memref<!tpu.dma_semaphore, #tpu.memory_space<semaphore_mem>>)
      } else {
      }
      %dma_wait3A_305 = arith.constant 3 : i32
      %dma_wait3A_306 = arith.constant 0 : i32
      %dma_wait3A_307 = arith.constant 0 : i32
      %dma_wait3A_308 = tpu.memref_slice %arg6[%dma_wait3A_305, %dma_wait3A_306, %dma_wait3A_307] : memref<5x128x128xf32, #tpu.memory_space<vmem>> -> memref<1x128x128xf32, #tpu.memory_space<vmem>>
      %dma_wait3A_309 = tpu.memref_squeeze %dma_wait3A_308 : memref<1x128x128xf32, #tpu.memory_space<vmem>> -> memref<128x128xf32, #tpu.memory_space<vmem>>
      %dma_wait3A_310 = arith.constant 0 : i32
      %dma_wait3A_311 = tpu.memref_slice %arg5[%add3A_287, %dma_wait3A_310] : memref<50x128xi32, #tpu.memory_space<vmem>> -> memref<1x128xi32, #tpu.memory_space<vmem>>
      %dma_wait3A_312 = tpu.memref_squeeze %dma_wait3A_311 : memref<1x128xi32, #tpu.memory_space<vmem>> -> memref<128xi32, #tpu.memory_space<vmem>>
      %dma_wait3A_313 = arith.constant 0 : i32
      %dma_wait3A_314 = arith.constant 0 : i32
      %dma_wait3A_315 = tpu.memref_slice %arg3[%dma_wait3A_313, %dma_wait3A_314] : memref<100000x128xf32, #tpu.memory_space<hbm>> -> memref<100000x128xf32, #tpu.memory_space<hbm>>
      tpu.wait_indirect_dma semaphore(%arg10 : memref<!tpu.dma_semaphore, #tpu.memory_space<semaphore_mem>>) src(%dma_wait3A_315 : memref<100000x128xf32, #tpu.memory_space<hbm>>) dst(%dma_wait3A_309 : memref<128x128xf32, #tpu.memory_space<vmem>>)
      %mul3A_316 = arith.constant 4096 : i32
      %mul3A_317 = arith.muli %add3A_287, %mul3A_316 : i32
      %add3A_318 = arith.addi %mul3A_317, %mul3A_2 : i32
      %dma_start3A_319 = arith.constant 3 : i32
      %dma_start3A_320 = arith.constant 0 : i32
      %dma_start3A_321 = arith.constant 0 : i32
      %dma_start3A_322 = tpu.memref_slice %arg6[%dma_start3A_319, %dma_start3A_320, %dma_start3A_321] : memref<5x128x128xf32, #tpu.memory_space<vmem>> -> memref<1x128x128xf32, #tpu.memory_space<vmem>>
      %dma_start3A_323 = tpu.memref_squeeze %dma_start3A_322 : memref<1x128x128xf32, #tpu.memory_space<vmem>> -> memref<128x128xf32, #tpu.memory_space<vmem>>
      %dma_start3A_324 = arith.constant 0 : i32
      %dma_start3A_325 = tpu.memref_slice %arg4[%add3A_318, %dma_start3A_324] : memref<204800x128xf32, #tpu.memory_space<hbm>> -> memref<128x128xf32, #tpu.memory_space<hbm>>
      %dma_start3A_326 = arith.constant 0 : i32
      %dma_start3A_327 = tpu.memref_slice %arg4[%add3A_318, %dma_start3A_326] : memref<204800x128xf32, #tpu.memory_space<hbm>> -> memref<128x128xf32, #tpu.memory_space<hbm>>
      %dma_start3A_328 = arith.constant 0 : i32
      %dma_start3A_329 = arith.constant 0 : i32
      %dma_start3A_330 = tpu.memref_slice %arg6[%dma_start3A_319, %dma_start3A_328, %dma_start3A_329] : memref<5x128x128xf32, #tpu.memory_space<vmem>> -> memref<1x128x128xf32, #tpu.memory_space<vmem>>
      %dma_start3A_331 = tpu.memref_squeeze %dma_start3A_330 : memref<1x128x128xf32, #tpu.memory_space<vmem>> -> memref<128x128xf32, #tpu.memory_space<vmem>>
      tpu.enqueue_dma source(%dma_start3A_331 : memref<128x128xf32, #tpu.memory_space<vmem>>) target(%dma_start3A_327 : memref<128x128xf32, #tpu.memory_space<hbm>>) target_semaphore(%arg15 : memref<!tpu.dma_semaphore, #tpu.memory_space<semaphore_mem>>)
      %add3A_332 = arith.constant 4 : i32
      %add3A_333 = arith.addi %mul3A_153, %add3A_332 : i32
      %add3A_334 = arith.constant 4 : i32
      %add3A_335 = arith.addi %add3A_333, %add3A_334 : i32
      %sub3A_336 = arith.constant 5 : i32
      %sub3A_337 = arith.subi %add3A_335, %sub3A_336 : i32
      %ge3A_338 = arith.constant 0 : i32
      %ge3A_339 = arith.cmpi sge, %sub3A_337, %ge3A_338 : i32
      %lt3A_340 = arith.constant 50 : i32
      %lt3A_341 = arith.cmpi slt, %add3A_335, %lt3A_340 : i32
      %and3A_342 = arith.andi %ge3A_339, %lt3A_341 : i1
      %convert_element_type3A_343 = arith.extui %and3A_342 : i1 to i32
      %cond3A_344 = arith.constant 0 : i32
      %cond3A_345 = arith.cmpi ne, %convert_element_type3A_343, %cond3A_344 : i32
      scf.if %cond3A_345 {
        %mul3A_379 = arith.constant 4096 : i32
        %mul3A_380 = arith.muli %sub3A_337, %mul3A_379 : i32
        %add3A_381 = arith.addi %mul3A_380, %mul3A_2 : i32
        %dma_wait3A_382 = arith.constant 3 : i32
        %dma_wait3A_383 = arith.constant 0 : i32
        %dma_wait3A_384 = arith.constant 0 : i32
        %dma_wait3A_385 = tpu.memref_slice %arg6[%dma_wait3A_382, %dma_wait3A_383, %dma_wait3A_384] : memref<5x128x128xf32, #tpu.memory_space<vmem>> -> memref<1x128x128xf32, #tpu.memory_space<vmem>>
        %dma_wait3A_386 = tpu.memref_squeeze %dma_wait3A_385 : memref<1x128x128xf32, #tpu.memory_space<vmem>> -> memref<128x128xf32, #tpu.memory_space<vmem>>
        %dma_wait3A_387 = arith.constant 0 : i32
        %dma_wait3A_388 = tpu.memref_slice %arg4[%add3A_381, %dma_wait3A_387] : memref<204800x128xf32, #tpu.memory_space<hbm>> -> memref<128x128xf32, #tpu.memory_space<hbm>>
        %dma_wait3A_389 = arith.constant 0 : i32
        %dma_wait3A_390 = tpu.memref_slice %arg4[%add3A_381, %dma_wait3A_389] : memref<204800x128xf32, #tpu.memory_space<hbm>> -> memref<128x128xf32, #tpu.memory_space<hbm>>
        %dma_wait3A_391 = arith.constant 0 : i32
        %dma_wait3A_392 = arith.constant 0 : i32
        %dma_wait3A_393 = tpu.memref_slice %arg6[%dma_wait3A_382, %dma_wait3A_391, %dma_wait3A_392] : memref<5x128x128xf32, #tpu.memory_space<vmem>> -> memref<1x128x128xf32, #tpu.memory_space<vmem>>
        %dma_wait3A_394 = tpu.memref_squeeze %dma_wait3A_393 : memref<1x128x128xf32, #tpu.memory_space<vmem>> -> memref<128x128xf32, #tpu.memory_space<vmem>>
        tpu.wait_dma2 semaphore(%arg15 : memref<!tpu.dma_semaphore, #tpu.memory_space<semaphore_mem>>) src(%dma_wait3A_394 : memref<128x128xf32, #tpu.memory_space<vmem>>) dst(%dma_wait3A_390 : memref<128x128xf32, #tpu.memory_space<hbm>>)
      } else {
      }
      %lt3A_346 = arith.constant 50 : i32
      %lt3A_347 = arith.cmpi slt, %add3A_335, %lt3A_346 : i32
      %convert_element_type3A_348 = arith.extui %lt3A_347 : i1 to i32
      %cond3A_349 = arith.constant 0 : i32
      %cond3A_350 = arith.cmpi ne, %convert_element_type3A_348, %cond3A_349 : i32
      scf.if %cond3A_350 {
        %dma_start3A_379 = arith.constant 3 : i32
        %dma_start3A_380 = arith.constant 0 : i32
        %dma_start3A_381 = arith.constant 0 : i32
        %dma_start3A_382 = tpu.memref_slice %arg6[%dma_start3A_379, %dma_start3A_380, %dma_start3A_381] : memref<5x128x128xf32, #tpu.memory_space<vmem>> -> memref<1x128x128xf32, #tpu.memory_space<vmem>>
        %dma_start3A_383 = tpu.memref_squeeze %dma_start3A_382 : memref<1x128x128xf32, #tpu.memory_space<vmem>> -> memref<128x128xf32, #tpu.memory_space<vmem>>
        %dma_start3A_384 = arith.constant 0 : i32
        %dma_start3A_385 = tpu.memref_slice %arg5[%add3A_335, %dma_start3A_384] : memref<50x128xi32, #tpu.memory_space<vmem>> -> memref<1x128xi32, #tpu.memory_space<vmem>>
        %dma_start3A_386 = tpu.memref_squeeze %dma_start3A_385 : memref<1x128xi32, #tpu.memory_space<vmem>> -> memref<128xi32, #tpu.memory_space<vmem>>
        %dma_start3A_387 = arith.constant 0 : i32
        %dma_start3A_388 = arith.constant 0 : i32
        %dma_start3A_389 = tpu.memref_slice %arg3[%dma_start3A_387, %dma_start3A_388] : memref<100000x128xf32, #tpu.memory_space<hbm>> -> memref<100000x128xf32, #tpu.memory_space<hbm>>
        tpu.enqueue_indirect_dma source(%dma_start3A_389 : memref<100000x128xf32, #tpu.memory_space<hbm>>) target(%dma_start3A_383 : memref<128x128xf32, #tpu.memory_space<vmem>>) offsets(%dma_start3A_386 : memref<128xi32, #tpu.memory_space<vmem>>) semaphore(%arg10 : memref<!tpu.dma_semaphore, #tpu.memory_space<semaphore_mem>>)
      } else {
      }
      %dma_wait3A_351 = arith.constant 4 : i32
      %dma_wait3A_352 = arith.constant 0 : i32
      %dma_wait3A_353 = arith.constant 0 : i32
      %dma_wait3A_354 = tpu.memref_slice %arg6[%dma_wait3A_351, %dma_wait3A_352, %dma_wait3A_353] : memref<5x128x128xf32, #tpu.memory_space<vmem>> -> memref<1x128x128xf32, #tpu.memory_space<vmem>>
      %dma_wait3A_355 = tpu.memref_squeeze %dma_wait3A_354 : memref<1x128x128xf32, #tpu.memory_space<vmem>> -> memref<128x128xf32, #tpu.memory_space<vmem>>
      %dma_wait3A_356 = arith.constant 0 : i32
      %dma_wait3A_357 = tpu.memref_slice %arg5[%add3A_333, %dma_wait3A_356] : memref<50x128xi32, #tpu.memory_space<vmem>> -> memref<1x128xi32, #tpu.memory_space<vmem>>
      %dma_wait3A_358 = tpu.memref_squeeze %dma_wait3A_357 : memref<1x128xi32, #tpu.memory_space<vmem>> -> memref<128xi32, #tpu.memory_space<vmem>>
      %dma_wait3A_359 = arith.constant 0 : i32
      %dma_wait3A_360 = arith.constant 0 : i32
      %dma_wait3A_361 = tpu.memref_slice %arg3[%dma_wait3A_359, %dma_wait3A_360] : memref<100000x128xf32, #tpu.memory_space<hbm>> -> memref<100000x128xf32, #tpu.memory_space<hbm>>
      tpu.wait_indirect_dma semaphore(%arg11 : memref<!tpu.dma_semaphore, #tpu.memory_space<semaphore_mem>>) src(%dma_wait3A_361 : memref<100000x128xf32, #tpu.memory_space<hbm>>) dst(%dma_wait3A_355 : memref<128x128xf32, #tpu.memory_space<vmem>>)
      %mul3A_362 = arith.constant 4096 : i32
      %mul3A_363 = arith.muli %add3A_333, %mul3A_362 : i32
      %add3A_364 = arith.addi %mul3A_363, %mul3A_2 : i32
      %dma_start3A_365 = arith.constant 4 : i32
      %dma_start3A_366 = arith.constant 0 : i32
      %dma_start3A_367 = arith.constant 0 : i32
      %dma_start3A_368 = tpu.memref_slice %arg6[%dma_start3A_365, %dma_start3A_366, %dma_start3A_367] : memref<5x128x128xf32, #tpu.memory_space<vmem>> -> memref<1x128x128xf32, #tpu.memory_space<vmem>>
      %dma_start3A_369 = tpu.memref_squeeze %dma_start3A_368 : memref<1x128x128xf32, #tpu.memory_space<vmem>> -> memref<128x128xf32, #tpu.memory_space<vmem>>
      %dma_start3A_370 = arith.constant 0 : i32
      %dma_start3A_371 = tpu.memref_slice %arg4[%add3A_364, %dma_start3A_370] : memref<204800x128xf32, #tpu.memory_space<hbm>> -> memref<128x128xf32, #tpu.memory_space<hbm>>
      %dma_start3A_372 = arith.constant 0 : i32
      %dma_start3A_373 = tpu.memref_slice %arg4[%add3A_364, %dma_start3A_372] : memref<204800x128xf32, #tpu.memory_space<hbm>> -> memref<128x128xf32, #tpu.memory_space<hbm>>
      %dma_start3A_374 = arith.constant 0 : i32
      %dma_start3A_375 = arith.constant 0 : i32
      %dma_start3A_376 = tpu.memref_slice %arg6[%dma_start3A_365, %dma_start3A_374, %dma_start3A_375] : memref<5x128x128xf32, #tpu.memory_space<vmem>> -> memref<1x128x128xf32, #tpu.memory_space<vmem>>
      %dma_start3A_377 = tpu.memref_squeeze %dma_start3A_376 : memref<1x128x128xf32, #tpu.memory_space<vmem>> -> memref<128x128xf32, #tpu.memory_space<vmem>>
      tpu.enqueue_dma source(%dma_start3A_377 : memref<128x128xf32, #tpu.memory_space<vmem>>) target(%dma_start3A_373 : memref<128x128xf32, #tpu.memory_space<hbm>>) target_semaphore(%arg16 : memref<!tpu.dma_semaphore, #tpu.memory_space<semaphore_mem>>)
      %scan3A_378 = arith.constant 0 : i32
      scf.yield %scan3A_378 : i32
    }
    %scan3A_74 = arith.constant 10 : i32
    %add3A_75 = arith.constant 184320 : i32
    %add3A_76 = arith.addi %add3A_75, %mul3A_2 : i32
    %dma_wait3A_77 = arith.constant 0 : i32
    %dma_wait3A_78 = arith.constant 0 : i32
    %dma_wait3A_79 = arith.constant 0 : i32
    %dma_wait3A_80 = tpu.memref_slice %arg6[%dma_wait3A_77, %dma_wait3A_78, %dma_wait3A_79] : memref<5x128x128xf32, #tpu.memory_space<vmem>> -> memref<1x128x128xf32, #tpu.memory_space<vmem>>
    %dma_wait3A_81 = tpu.memref_squeeze %dma_wait3A_80 : memref<1x128x128xf32, #tpu.memory_space<vmem>> -> memref<128x128xf32, #tpu.memory_space<vmem>>
    %dma_wait3A_82 = arith.constant 0 : i32
    %dma_wait3A_83 = tpu.memref_slice %arg4[%add3A_76, %dma_wait3A_82] : memref<204800x128xf32, #tpu.memory_space<hbm>> -> memref<128x128xf32, #tpu.memory_space<hbm>>
    %dma_wait3A_84 = arith.constant 0 : i32
    %dma_wait3A_85 = tpu.memref_slice %arg4[%add3A_76, %dma_wait3A_84] : memref<204800x128xf32, #tpu.memory_space<hbm>> -> memref<128x128xf32, #tpu.memory_space<hbm>>
    %dma_wait3A_86 = arith.constant 0 : i32
    %dma_wait3A_87 = arith.constant 0 : i32
    %dma_wait3A_88 = tpu.memref_slice %arg6[%dma_wait3A_77, %dma_wait3A_86, %dma_wait3A_87] : memref<5x128x128xf32, #tpu.memory_space<vmem>> -> memref<1x128x128xf32, #tpu.memory_space<vmem>>
    %dma_wait3A_89 = tpu.memref_squeeze %dma_wait3A_88 : memref<1x128x128xf32, #tpu.memory_space<vmem>> -> memref<128x128xf32, #tpu.memory_space<vmem>>
    tpu.wait_dma2 semaphore(%arg12 : memref<!tpu.dma_semaphore, #tpu.memory_space<semaphore_mem>>) src(%dma_wait3A_89 : memref<128x128xf32, #tpu.memory_space<vmem>>) dst(%dma_wait3A_85 : memref<128x128xf32, #tpu.memory_space<hbm>>)
    %add3A_90 = arith.constant 188416 : i32
    %add3A_91 = arith.addi %add3A_90, %mul3A_2 : i32
    %dma_wait3A_92 = arith.constant 1 : i32
    %dma_wait3A_93 = arith.constant 0 : i32
    %dma_wait3A_94 = arith.constant 0 : i32
    %dma_wait3A_95 = tpu.memref_slice %arg6[%dma_wait3A_92, %dma_wait3A_93, %dma_wait3A_94] : memref<5x128x128xf32, #tpu.memory_space<vmem>> -> memref<1x128x128xf32, #tpu.memory_space<vmem>>
    %dma_wait3A_96 = tpu.memref_squeeze %dma_wait3A_95 : memref<1x128x128xf32, #tpu.memory_space<vmem>> -> memref<128x128xf32, #tpu.memory_space<vmem>>
    %dma_wait3A_97 = arith.constant 0 : i32
    %dma_wait3A_98 = tpu.memref_slice %arg4[%add3A_91, %dma_wait3A_97] : memref<204800x128xf32, #tpu.memory_space<hbm>> -> memref<128x128xf32, #tpu.memory_space<hbm>>
    %dma_wait3A_99 = arith.constant 0 : i32
    %dma_wait3A_100 = tpu.memref_slice %arg4[%add3A_91, %dma_wait3A_99] : memref<204800x128xf32, #tpu.memory_space<hbm>> -> memref<128x128xf32, #tpu.memory_space<hbm>>
    %dma_wait3A_101 = arith.constant 0 : i32
    %dma_wait3A_102 = arith.constant 0 : i32
    %dma_wait3A_103 = tpu.memref_slice %arg6[%dma_wait3A_92, %dma_wait3A_101, %dma_wait3A_102] : memref<5x128x128xf32, #tpu.memory_space<vmem>> -> memref<1x128x128xf32, #tpu.memory_space<vmem>>
    %dma_wait3A_104 = tpu.memref_squeeze %dma_wait3A_103 : memref<1x128x128xf32, #tpu.memory_space<vmem>> -> memref<128x128xf32, #tpu.memory_space<vmem>>
    tpu.wait_dma2 semaphore(%arg13 : memref<!tpu.dma_semaphore, #tpu.memory_space<semaphore_mem>>) src(%dma_wait3A_104 : memref<128x128xf32, #tpu.memory_space<vmem>>) dst(%dma_wait3A_100 : memref<128x128xf32, #tpu.memory_space<hbm>>)
    %add3A_105 = arith.constant 192512 : i32
    %add3A_106 = arith.addi %add3A_105, %mul3A_2 : i32
    %dma_wait3A_107 = arith.constant 2 : i32
    %dma_wait3A_108 = arith.constant 0 : i32
    %dma_wait3A_109 = arith.constant 0 : i32
    %dma_wait3A_110 = tpu.memref_slice %arg6[%dma_wait3A_107, %dma_wait3A_108, %dma_wait3A_109] : memref<5x128x128xf32, #tpu.memory_space<vmem>> -> memref<1x128x128xf32, #tpu.memory_space<vmem>>
    %dma_wait3A_111 = tpu.memref_squeeze %dma_wait3A_110 : memref<1x128x128xf32, #tpu.memory_space<vmem>> -> memref<128x128xf32, #tpu.memory_space<vmem>>
    %dma_wait3A_112 = arith.constant 0 : i32
    %dma_wait3A_113 = tpu.memref_slice %arg4[%add3A_106, %dma_wait3A_112] : memref<204800x128xf32, #tpu.memory_space<hbm>> -> memref<128x128xf32, #tpu.memory_space<hbm>>
    %dma_wait3A_114 = arith.constant 0 : i32
    %dma_wait3A_115 = tpu.memref_slice %arg4[%add3A_106, %dma_wait3A_114] : memref<204800x128xf32, #tpu.memory_space<hbm>> -> memref<128x128xf32, #tpu.memory_space<hbm>>
    %dma_wait3A_116 = arith.constant 0 : i32
    %dma_wait3A_117 = arith.constant 0 : i32
    %dma_wait3A_118 = tpu.memref_slice %arg6[%dma_wait3A_107, %dma_wait3A_116, %dma_wait3A_117] : memref<5x128x128xf32, #tpu.memory_space<vmem>> -> memref<1x128x128xf32, #tpu.memory_space<vmem>>
    %dma_wait3A_119 = tpu.memref_squeeze %dma_wait3A_118 : memref<1x128x128xf32, #tpu.memory_space<vmem>> -> memref<128x128xf32, #tpu.memory_space<vmem>>
    tpu.wait_dma2 semaphore(%arg14 : memref<!tpu.dma_semaphore, #tpu.memory_space<semaphore_mem>>) src(%dma_wait3A_119 : memref<128x128xf32, #tpu.memory_space<vmem>>) dst(%dma_wait3A_115 : memref<128x128xf32, #tpu.memory_space<hbm>>)
    %add3A_120 = arith.constant 196608 : i32
    %add3A_121 = arith.addi %add3A_120, %mul3A_2 : i32
    %dma_wait3A_122 = arith.constant 3 : i32
    %dma_wait3A_123 = arith.constant 0 : i32
    %dma_wait3A_124 = arith.constant 0 : i32
    %dma_wait3A_125 = tpu.memref_slice %arg6[%dma_wait3A_122, %dma_wait3A_123, %dma_wait3A_124] : memref<5x128x128xf32, #tpu.memory_space<vmem>> -> memref<1x128x128xf32, #tpu.memory_space<vmem>>
    %dma_wait3A_126 = tpu.memref_squeeze %dma_wait3A_125 : memref<1x128x128xf32, #tpu.memory_space<vmem>> -> memref<128x128xf32, #tpu.memory_space<vmem>>
    %dma_wait3A_127 = arith.constant 0 : i32
    %dma_wait3A_128 = tpu.memref_slice %arg4[%add3A_121, %dma_wait3A_127] : memref<204800x128xf32, #tpu.memory_space<hbm>> -> memref<128x128xf32, #tpu.memory_space<hbm>>
    %dma_wait3A_129 = arith.constant 0 : i32
    %dma_wait3A_130 = tpu.memref_slice %arg4[%add3A_121, %dma_wait3A_129] : memref<204800x128xf32, #tpu.memory_space<hbm>> -> memref<128x128xf32, #tpu.memory_space<hbm>>
    %dma_wait3A_131 = arith.constant 0 : i32
    %dma_wait3A_132 = arith.constant 0 : i32
    %dma_wait3A_133 = tpu.memref_slice %arg6[%dma_wait3A_122, %dma_wait3A_131, %dma_wait3A_132] : memref<5x128x128xf32, #tpu.memory_space<vmem>> -> memref<1x128x128xf32, #tpu.memory_space<vmem>>
    %dma_wait3A_134 = tpu.memref_squeeze %dma_wait3A_133 : memref<1x128x128xf32, #tpu.memory_space<vmem>> -> memref<128x128xf32, #tpu.memory_space<vmem>>
    tpu.wait_dma2 semaphore(%arg15 : memref<!tpu.dma_semaphore, #tpu.memory_space<semaphore_mem>>) src(%dma_wait3A_134 : memref<128x128xf32, #tpu.memory_space<vmem>>) dst(%dma_wait3A_130 : memref<128x128xf32, #tpu.memory_space<hbm>>)
    %add3A_135 = arith.constant 200704 : i32
    %add3A_136 = arith.addi %add3A_135, %mul3A_2 : i32
    %dma_wait3A_137 = arith.constant 4 : i32
    %dma_wait3A_138 = arith.constant 0 : i32
    %dma_wait3A_139 = arith.constant 0 : i32
    %dma_wait3A_140 = tpu.memref_slice %arg6[%dma_wait3A_137, %dma_wait3A_138, %dma_wait3A_139] : memref<5x128x128xf32, #tpu.memory_space<vmem>> -> memref<1x128x128xf32, #tpu.memory_space<vmem>>
    %dma_wait3A_141 = tpu.memref_squeeze %dma_wait3A_140 : memref<1x128x128xf32, #tpu.memory_space<vmem>> -> memref<128x128xf32, #tpu.memory_space<vmem>>
    %dma_wait3A_142 = arith.constant 0 : i32
    %dma_wait3A_143 = tpu.memref_slice %arg4[%add3A_136, %dma_wait3A_142] : memref<204800x128xf32, #tpu.memory_space<hbm>> -> memref<128x128xf32, #tpu.memory_space<hbm>>
    %dma_wait3A_144 = arith.constant 0 : i32
    %dma_wait3A_145 = tpu.memref_slice %arg4[%add3A_136, %dma_wait3A_144] : memref<204800x128xf32, #tpu.memory_space<hbm>> -> memref<128x128xf32, #tpu.memory_space<hbm>>
    %dma_wait3A_146 = arith.constant 0 : i32
    %dma_wait3A_147 = arith.constant 0 : i32
    %dma_wait3A_148 = tpu.memref_slice %arg6[%dma_wait3A_137, %dma_wait3A_146, %dma_wait3A_147] : memref<5x128x128xf32, #tpu.memory_space<vmem>> -> memref<1x128x128xf32, #tpu.memory_space<vmem>>
    %dma_wait3A_149 = tpu.memref_squeeze %dma_wait3A_148 : memref<1x128x128xf32, #tpu.memory_space<vmem>> -> memref<128x128xf32, #tpu.memory_space<vmem>>
    tpu.wait_dma2 semaphore(%arg16 : memref<!tpu.dma_semaphore, #tpu.memory_space<semaphore_mem>>) src(%dma_wait3A_149 : memref<128x128xf32, #tpu.memory_space<vmem>>) dst(%dma_wait3A_145 : memref<128x128xf32, #tpu.memory_space<hbm>>)
    return
  }
}

</mosaic_0001>

<sc_bundles>
// kernel: kernel.3.cloned.1.call-start
scs
__scs_entry_jumppad:
0x0: {  	(pc) =	sbr.rel $0x88, $3  }
0x1: {  	(tag) =	ssettag $0x0;
	lr =	simm.s32 $0x1  }
0x2: {  	[smem:$0x3F9F] =	sst lr;
	_ =	strace $0xD0000000  }
0x3: {  	_ = 	snop  }
0x4: {  	_ = 	snop  }
0x5: {  	_ = 	snop  }
0x6: {  	_ = 	snop  }
0x7: {  	_ = 	snop  }
__scs_overlays_trampoline_lowered:
0x8: {  	[smem:$0x3FAE] =	sst s0  }
0x9: {  	[smem:$0x3FAF] =	sst s1  }
0xa: {  	[smem:$0x3FB0] =	sst s2  }
0xb: {  	[smem:$0x3FB1] =	sst s3  }
0xc: {  	[smem:$0x3FB2] =	sst s4  }
0xd: {  	[smem:$0x3FB3] =	sst s5  }
0xe: {  	[smem:$0x3FB4] =	sst s6  }
0xf: {  	[smem:$0x3FB5] =	sst s7  }
0x10: {  	[smem:$0x3FB6] =	sst s8  }
0x11: {  	[smem:$0x3FB7] =	sst s9;
	s0 =	simm.s32 @!p0 $0x0  }
0x12: {  	s1 =	sld [smem:$0x3F9D];
	s0 =	simm.s32 @p0 $0x1  }
0x13: {  	[smem:$0x3FB8] =	sst s0;
	s0 =	simm.s32 @!p1 $0x0  }
0x14: {  	s2 =	sld [smem:$0x3F9C];
	s0 =	simm.s32 @p1 $0x1  }
0x15: {  	[smem:$0x3FB9] =	sst s0;
	s0 =	simm.s32 @!p2 $0x0  }
0x16: {  	s3 =	sld [smem:$0x3FDB];
	s0 =	simm.s32 @p2 $0x1  }
0x17: {  	s4 =	simm.s32 $0x1BF5;
	[smem:$0x3FBB] =	sst s0  }
0x18: {  	s0 =	sld [smem:$0x3F9E];
	_ =	swait.ge [sflag:s4], $0x0  }
0x19: {  	s7 =	sld [smem:$0x3F9F]  }
0x1a: {  	s8 =	sadd.s32 $0xFFFFE003, lr  }
0x1b: {  	s9 =	sadd.s32 $0xFFFFFEF7, lr;
	s5 =	simm.s32 $0xFFFFFFFF;
	p2 =	slt.u32 s8, $0xFFFFF086  }
0x1c: {  	p1 =	slt.u32 s9, $0xF7A;
	s5 =	simm.s32 @!p2 $0x0  }
0x1d: {  	s5 =	simm.s32 @p1 $0x1;
	p0 =	seq.s32 s7, s2  }
0x1e: {  	s7 =	smul.u32 @!p0 $0xF7A, s2;
	p2 =	seq.s32 @!p0 s5, $0x0  }
0x1f: {  	s9 =	smul.u32 $0xF7A, s1;
	s8 =	simm.s32 @!p0 $0x1BF5;
	p2 =	por !p2, p0  }
0x20: {  	[sflag:s8] =	ssyncset.s32 @!p0 $0xFFFFF086;
	s6 =	sadd.s32 @!p0 s3, s7;
	s7 =	simm.s32 @!p0 $0x108  }
0x21: {  	s3 =	sadd.s32 s3, s9;
	s6 =	sadd.s32 @!p0 $0x88, s6;
	s7 =	simm.s32 @p2 $0x1082  }
0x22: {  	[simem:s7], [sflag:s8] =	dma.local @!p0 [hbm:s6], $0xF7A  }
0x23: {  	s9 =	sor.u32 $0xD0000000, s2;
	s6 =	simm.s32 $0x108;
	_ =	swait.ge @!p0 [sflag:s8], $0x0  }
0x24: {  	s3 =	sadd.s32 $0x88, s3;
	s6 =	simm.s32 @!p1 $0x1082;
	[sflag:s4] =	ssyncset.s32 $0xFFFFF086  }
0x25: {  	[simem:s6], [sflag:s4] =	dma.local [hbm:s3], $0xF7A  }
0x26: {  	[smem:$0x3F9F] =	sst s1;
	(tag) =	ssettag s2;
	_ =	strace s9  }
0x27: {  	s1 =	sld [smem:$0x3FAF]  }
0x28: {  	s2 =	sld [smem:$0x3FB0]  }
0x29: {  	s4 =	sld [smem:$0x3FB2]  }
0x2a: {  	p0 =	seq.s32 s5, $0x0;
	s5 =	sld [smem:$0x3FB3]  }
0x2b: {  	s6 =	sld [smem:$0x3FB4]  }
0x2c: {  	s7 =	sld [smem:$0x3FB5]  }
0x2d: {  	s3 =	simm.s32 $0x108;
	s8 =	sld [smem:$0x3FB6]  }
0x2e: {  	s3 =	simm.s32 @!p0 $0x1082;
	s9 =	sld [smem:$0x3FB7]  }
0x2f: {  	lr =	sadd.s32 s0, s3;
	s0 =	sld [smem:$0x3FAE]  }
0x30: {  	s3 =	sld [smem:$0x3FB1]  }
0x31: {  	[smem:$0x3FBA] =	sst s10  }
0x32: {  	s10 =	sld [smem:$0x3FB8];
	_ =	sdelay $0x3  }
0x33: {  	p0 =	seq.s32 s10, $0x1;
	s10 =	sld [smem:$0x3FBA];
	_ =	sdelay $0x3  }
0x34: {  	[smem:$0x3FBA] =	sst s10  }
0x35: {  	s10 =	sld [smem:$0x3FB9];
	_ =	sdelay $0x3  }
0x36: {  	p1 =	seq.s32 s10, $0x1;
	s10 =	sld [smem:$0x3FBA];
	_ =	sdelay $0x3  }
0x37: {  	[smem:$0x3FBA] =	sst s10  }
0x38: {  	s10 =	sld [smem:$0x3FBB]  }
0x39: {  	_ = 	snop;
	(pc) =	sbr.ind lr, $3  }
0x3a: {  	_ = 	snop  }
0x3b: {  	_ = 	snop  }
0x3c: {  	p2 =	seq.s32 s10, $0x1;
	s10 =	sld [smem:$0x3FBA]  }
0x3d: {  	_ =	shalt  }
0x3e: {  	_ =	shalt  }
0x3f: {  	_ =	shalt  }
0x40: {  	_ =	shalt  }
0x41: {  	_ =	shalt  }
0x42: {  	_ =	shalt  }
0x43: {  	_ =	shalt  }
0x44: {  	_ =	shalt  }
0x45: {  	_ =	shalt  }
0x46: {  	_ =	shalt  }
0x47: {  	_ =	shalt  }
0x48: {  	_ =	shalt  }
0x49: {  	_ =	shalt  }
0x4a: {  	_ =	shalt  }
0x4b: {  	_ =	shalt  }
0x4c: {  	_ =	shalt  }
0x4d: {  	_ =	shalt  }
0x4e: {  	_ =	shalt  }
0x4f: {  	_ =	shalt  }
0x50: {  	_ =	shalt  }
0x51: {  	_ =	shalt  }
0x52: {  	_ =	shalt  }
0x53: {  	_ =	shalt  }
0x54: {  	_ =	shalt  }
0x55: {  	_ =	shalt  }
0x56: {  	_ =	shalt  }
0x57: {  	_ =	shalt  }
0x58: {  	_ =	shalt  }
0x59: {  	_ =	shalt  }
0x5a: {  	_ =	shalt  }
0x5b: {  	_ =	shalt  }
0x5c: {  	_ =	shalt  }
0x5d: {  	_ =	shalt  }
0x5e: {  	_ =	shalt  }
0x5f: {  	_ =	shalt  }
0x60: {  	_ =	shalt  }
0x61: {  	_ =	shalt  }
0x62: {  	_ =	shalt  }
0x63: {  	_ =	shalt  }
0x64: {  	_ =	shalt  }
0x65: {  	_ =	shalt  }
0x66: {  	_ =	shalt  }
0x67: {  	_ =	shalt  }
0x68: {  	_ =	shalt  }
0x69: {  	_ =	shalt  }
0x6a: {  	_ =	shalt  }
0x6b: {  	_ =	shalt  }
0x6c: {  	_ =	shalt  }
0x6d: {  	_ =	shalt  }
0x6e: {  	_ =	shalt  }
0x6f: {  	_ =	shalt  }
0x70: {  	_ =	shalt  }
0x71: {  	_ =	shalt  }
0x72: {  	_ =	shalt  }
0x73: {  	_ =	shalt  }
0x74: {  	_ =	shalt  }
0x75: {  	_ =	shalt  }
0x76: {  	_ =	shalt  }
0x77: {  	_ =	shalt  }
0x78: {  	_ =	shalt  }
0x79: {  	_ =	shalt  }
0x7a: {  	_ =	shalt  }
0x7b: {  	_ =	shalt  }
0x7c: {  	_ =	shalt  }
0x7d: {  	_ =	shalt  }
0x7e: {  	_ =	shalt  }
0x7f: {  	_ =	shalt  }
0x80: {  	_ =	shalt  }
0x81: {  	_ =	shalt  }
0x82: {  	_ =	shalt  }
0x83: {  	_ =	shalt  }
0x84: {  	_ =	shalt  }
0x85: {  	_ =	shalt  }
0x86: {  	_ =	shalt  }
0x87: {  	_ =	shalt  }
.Lfunc_end0:
.L_simem_size_0:
called_computation_lowered:
.L_overlay_start_0:
0x88: {  	s2 =	sld [smem:$0x3FD9]  }
0x89: {  	s3 =	sld [smem:$0x3FFE];
	_ =	sdelay $0x1  }
0x8a: {  	s1 =	srdreg.scid  }
0x8b: {  	s0 =	sand.u32 $0x1, s1  }
0x8c: {  	s18 =	sshll.u32 s0, $0xA;
	s2 =	sadd.s32 s3, s2  }
0x8d: {  	s2 =	sadd.s32 s2, s18  }
0x8e: {  	[smem:$0x3FC6] =	sst s2  }
0x8f: {  	_ = 	snop  }
0x90: {  	s2 =	sld [smem:$0x3FC9]  }
0x91: {  	s19 =	sld [smem:$0x3FC8]  }
0x92: {  	s4 =	sld [smem:$0x3FD0];
	(tm) =	ssettm $0x1  }
0x93: {  	s5 =	sld [smem:$0x3FFB];
	_ =	sdelay $0x3  }
0x94: {  	_ =	strace s5  }
0x95: {  	s5 =	sld [smem:$0x3FFC];
	_ =	sdelay $0x3  }
0x96: {  	_ =	strace s5  }
0x97: {  	s5 =	sld [smem:$0x3FFD];
	_ =	sdelay $0x3  }
0x98: {  	_ =	strace s5  }
0x99: {  	_ =	strace $0x8FFFFFFF  }
0x9a: {  	s20 =	sld [smem:$0x3FDB];
	_ =	sdelay $0x1  }
0x9b: {  	s6 =	simm.s32 $_scs_section_size  }
0x9c: {  	s7 =	simm.s32 $_size__tile_overlayer_lowered;
	s8 =	simm.s32 $_tile_overlayer_lowered  }
0x9d: {  	s23 =	simm.s32 $0x1BFF;
	s22 =	sshll.u32 s8, $0x1;
	s5 =	sadd.s32 s6, s20  }
0x9e: {  	s9 =	simm.s32 $0x0;
	s21 =	sshll.u32 s7, $0x1;
	s7 =	sadd.s32 s22, s5  }
0x9f: {  	[timem:s9], [sflag:s23] =	dma.local [hbm:s7], s21  }
0xa0: {  	_ =	swait.ge [sflag:s23], s21  }
0xa1: {  	s6 =	ssub.s32 $0x0, s21;
	[sflag:s23] =	ssyncset.done $0x0  }
0xa2: {  	[sflag:s23] =	ssyncadd.s32 s6;
	_ =	sdelay $0x1  }
0xa3: {  	s24 =	simm.s32 $0x1B8B  }
0xa4: {  	_ =	swait.ge [sflag:s24], $0x1  }
0xa5: {  	[sflag:s24] =	ssyncset.done $0x0  }
0xa6: {  	s25 =	simm.s32 $0x1B8E;
	[sflag:s24] =	ssyncadd.s32 $0xFFFFFFFF  }
0xa7: {  	s26 =	simm.s32 $execute0_lowered;
	[smem:$0x3FD2] =	sst s25  }
0xa8: {  	s6 =	sshll.u32 s26, $0x1;
	_ =	strace $0x80000046;
	[dreg:$0x1] =	wrdreg $0xFFFFFFFF  }
0xa9: {  	s28 =	simm.s32 $_size_execute0_lowered;
	s5 =	sadd.s32 s5, s6;
	[dreg:$0x0] =	wrdreg $0x0  }
0xaa: {  	s6 =	sshll.u32 s28, $0x1;
	[dreg:$0x2] =	wrdreg s5  }
0xab: {  	[dreg:$0x3] =	wrdreg s6  }
0xac: {  	[dreg:$0x4] =	wrdreg $0xC0  }
0xad: {  	_ =	task [dreg:s9], $0x5FFFF  }
0xae: {  	[dreg:$0x1] =	wrdreg $0xFFFFFFFF  }
0xaf: {  	[dreg:$0x0] =	wrdreg $0x60  }
0xb0: {  	[dreg:$0x2] =	wrdreg s2  }
0xb1: {  	[dreg:$0x3] =	wrdreg s19  }
0xb2: {  	[dreg:$0x4] =	wrdreg s4  }
0xb3: {  	[dreg:$0x5] =	wrdreg $0x9  }
0xb4: {  	_ =	task.clear_ibuf [dreg:s9], $0x6FFFF;
	_ =	strace $0x90000046  }
0xb5: {  	s29 =	simm.s32 $0x9;
	_ =	strace $0x80000048  }
0xb6: {  	_ =	swait.ge [sflag:s29], $0x1  }
0xb7: {  	[sflag:s29] =	ssyncadd.s32 $0xFFFFFFFF  }
0xb8: {  	_ =	strace $0x90000048  }
0xb9: {  	_ =	sfence  }
0xba: {  	s30 =	sld [smem:$0x0];
	_ =	sdelay $0x2  }
0xbb: {  	s31 =	sshll.u32 s1, $0xD;
	s1 =	sshrl.u32 s1, $0x2  }
0xbc: {  	s3 =	sand.u32 $0x4000, s31;
	s1 =	sadd.s32 s1, s30  }
0xbd: {  	s0 =	sor.u32 s3, s0;
	s1 =	sshll.u32 s1, $0x11  }
0xbe: {  	s0 =	sor.u32 s1, s0  }
0xbf: {  	s0 =	sadd.s32 $0x8F2B, s0  }
0xc0: {  	[sflag:s0] =	ssyncadd.remote.s32 $0x1  }
0xc1: {  	_ =	sfence.sel $0xFFFF  }
0xc2: {  	[dreg:$0x0] =	wrdreg $0xFFFFFFFF;
	(pc) =	sbr.abs _section_cstart, $3  }
0xc3: {  	[dreg:$0x1] =	wrdreg $0xFFFFFFFF  }
0xc4: {  	_ =	task.clear_ibuf [dreg:s9], $0x2FFFF;
	_ =	strace $0x9FFFFFFF  }
0xc5: {  	(tm) =	ssettm $0x7FFFFFFF  }
tec
execute0_lowered:
.L_overlay_start_1:
0x0: {  	(tag) =	ssettag $0x1  }
0x1: {  	s0 =	rddreg [dreg:$0x0]  }
0x2: {  	s1 =	rddreg [dreg:$0x1]  }
0x3: {  	s2 =	rddreg [dreg:$0x2]  }
0x4: {  	s3 =	simm.s32 $0x0;
	s4 =	srdreg.scid;
	s9 =	stileid.u32  }
0x5: {  	s13 =	simm.s32 $0x80;
	s14 =	simm.s32 $0x1C00;
	s15 =	simm.s32 $0x5C00  }
0x6: {  	s19 =	simm.s32 $0xDC00;
	s28 =	simm.s32 $0x7;
	s29 =	simm.s32 $0x8  }
0x7: {  	s30 =	simm.s32 $0x9;
	s31 =	simm.s32 $0xA;
	[smem:$0x7FF] =	sst s3  }
0x8: {  	s6 =	sand.u32 $0x1, s4;
	s5 =	sshll.u32 s9, $0x8;
	s24 =	sshll.u32 s9, $0xC  }
0x9: {  	s4 =	ssub.s32 $0x2, s6;
	s7 =	sshll.u32 s6, $0x7;
	_ =	strace $0x80000047  }
0xa: {  	s6 =	sshll.u32 s6, $0xB;
	s8 =	sshrl.u32 s4, $0x1;
	s5 =	sor.u32 s7, s5  }
0xb: {  	s21 =	ssub.s32 s4, s8;
	s22 =	sadd.s32 s0, s5;
	s23 =	sshll.u32 s5, $0x4  }
0xc: {  	[dreg:$0x5] =	wrdreg s22;
	s4 =	sadd.s32 $0x1000, s22;
	s0 =	sadd.s32 s23, s2  }
0xd: {  	s2 =	sadd.s32 s24, s2;
	s25 =	smax.u32 s21, $0x1;
	s21 =	simm.s32 $0x11C00  }
0xe: {  	s22 =	simm.s32 $0x1;
	s23 =	simm.s32 $0x2;
	[dreg:$0x7] =	wrdreg s25  }
0xf: {  	s24 =	simm.s32 $0x4;
	s0 =	sadd.s32 $0x2F0000, s0;
	[dreg:$0x6] =	wrdreg s4  }
0x10: {  	s7 =	sadd.s32 s6, s2;
	s26 =	sadd.s32 $0x5000, s4;
	[dreg:$0x4] =	wrdreg s0  }
0x11: {  	s25 =	simm.s32 $0x5;
	[dreg:$0x8] =	wrdreg s26;
	s0 =	simm.s32 $0x0  }
.LBB2_1:
0x12: {  	s2 =	rddreg [dreg:$0x5];
	s8 =	simm.s32 $0xC  }
0x13: {  	[tilespmem:s3], [sflag:$0xC] =	stream.linear.gather [hbm4b:s2+s3], $0x400, $0x38;
	[tilespmem:$0x15C00] =	vst v63  }
0x14: {  	_ =	swait.ge [sflag:s8], $0x400  }
0x15: {  	s4 =	simm.s32 $0x8000;
	[sflag:s8] =	ssyncset.done $0x0  }
0x16: {  	s5 =	simm.s32 $0x400;
	s9 =	rddreg [dreg:$0x6];
	[sflag:s8] =	ssyncadd.s32 $0xFFFFFC00  }
0x17: {  	[tilespmem:s5], [sflag:$0xB] =	stream.strided.gather [hbm4b:s9+s5], $0x1400, s4, s5, $0x38;
	[tilespmem:$0x15C00] =	vst v63  }
0x18: {  	s11 =	simm.s32 $0x1800;
	s10 =	rddreg [dreg:$0x8]  }
0x19: {  	[tilespmem:s11], [sflag:$0xB] =	stream.linear.gather [hbm4b:s10+s3], $0x100, $0x38;
	[tilespmem:$0x15C00] =	vst v63  }
0x1a: {  	_ = 	snop  }
0x1b: {  	[tilespmem:s14], [sflag:$0x1] =	stream.indirect.gather [hbm4b:s1+s13], $0x80, s3, s13, $0xb8;
	[tilespmem:$0x15C00] =	vst v63  }
0x1c: {  	_ = 	snop  }
0x1d: {  	[tilespmem:s15], [sflag:$0x2] =	stream.indirect.gather [hbm4b:s1+s13], $0x80, s13, s13, $0xb8;
	[tilespmem:$0x15C00] =	vst v63  }
0x1e: {  	s12 =	simm.s32 $0x100;
	s16 =	simm.s32 $0x9C00  }
0x1f: {  	[tilespmem:s16], [sflag:$0x3] =	stream.indirect.gather [hbm4b:s1+s13], $0x80, s12, s13, $0xb8;
	[tilespmem:$0x15C00] =	vst v63  }
0x20: {  	s17 =	simm.s32 $0x180;
	s18 =	simm.s32 $0xB  }
0x21: {  	[tilespmem:s19], [sflag:$0x4] =	stream.indirect.gather [hbm4b:s1+s13], $0x80, s17, s13, $0xb8;
	[tilespmem:$0x15C00] =	vst v63  }
0x22: {  	_ =	swait.ge [sflag:s18], $0x1500  }
0x23: {  	p0 =	por $0x1, $0x1;
	[sflag:s18] =	ssyncset.done $0x0  }
0x24: {  	s2 =	simm.s32 @!p0 $0xA;
	[sflag:s18] =	ssyncadd.s32 $0xFFFFEB00  }
0x25: {  	_ =	swait.ge @!p0 [sflag:s2], $0x4000  }
0x26: {  	[sflag:s2] =	ssyncset.done @!p0 $0x0  }
0x27: {  	s6 =	simm.s32 $0x200;
	[sflag:s2] =	ssyncadd.s32 @!p0 $0xFFFFC000  }
0x28: {  	[tilespmem:s21], [sflag:$0x5] =	stream.indirect.gather [hbm4b:s1+s13], $0x80, s6, s13, $0xb8;
	[tilespmem:$0x15C00] =	vst v63  }
0x29: {  	_ =	swait.ge [sflag:s22], $0x4000  }
0x2a: {  	p0 =	por $0x0, $0x0;
	[sflag:s22] =	ssyncset.done $0x0  }
0x2b: {  	s2 =	simm.s32 @!p0 $0x6;
	[sflag:s22] =	ssyncadd.s32 $0xFFFFC000  }
0x2c: {  	[hbm4b:s7+s3] =	stream.linear.scatter [tilespmem:s14], [sflag:$0x6], $0x4000, $0x38;
	[tilespmem:$0x15C00] =	vst v63  }
0x2d: {  	_ =	swait.ge @!p0 [sflag:s2], $0x4000  }
0x2e: {  	s6 =	simm.s32 @!p0 $0x280;
	[sflag:s2] =	ssyncset.done @!p0 $0x0  }
0x2f: {  	s12 =	simm.s32 @!p0 $0x80;
	s9 =	simm.s32 @!p0 $0x1C00;
	[sflag:s2] =	ssyncadd.s32 @!p0 $0xFFFFC000  }
0x30: {  	[tilespmem:s9], [sflag:$0x1] =	stream.indirect.gather @!p0 [hbm4b:s1+s12], $0x80, s6, s12, $0xb8;
	[tilespmem:$0x15C00] =	vst v63  }
0x31: {  	_ =	swait.ge [sflag:s23], $0x4000  }
0x32: {  	[sflag:s23] =	ssyncset.done $0x0  }
0x33: {  	s20 =	sadd.s32 $0x10000, s7;
	s6 =	simm.s32 @p0 $0x3;
	[sflag:s23] =	ssyncadd.s32 $0xFFFFC000  }
0x34: {  	[hbm4b:s20+s3] =	stream.linear.scatter [tilespmem:s15], [sflag:$0x7], $0x4000, $0x38;
	[tilespmem:$0x15C00] =	vst v63  }
0x35: {  	_ =	swait.ge @p0 [sflag:s6], $0x4000  }
0x36: {  	s10 =	simm.s32 @!p0 $0x7;
	s9 =	simm.s32 @p0 $0x9C00;
	[sflag:s6] =	ssyncset.done @p0 $0x0  }
0x37: {  	s2 =	rddreg [dreg:$0x4];
	[sflag:s6] =	ssyncadd.s32 @p0 $0xFFFFC000;
	s6 =	simm.s32 @p0 $0x0  }
0x38: {  	[hbm4b:s2+s6] =	stream.linear.scatter @p0 [tilespmem:s9], [sflag:$0x8], $0x4000, $0x38;
	[tilespmem:$0x15C00] =	vst v63  }
0x39: {  	_ =	swait.ge @!p0 [sflag:s10], $0x4000  }
0x3a: {  	s2 =	simm.s32 @!p0 $0x300;
	[sflag:s10] =	ssyncset.done @!p0 $0x0  }
0x3b: {  	s6 =	simm.s32 @!p0 $0x5C00;
	s9 =	simm.s32 @!p0 $0x3;
	[sflag:s10] =	ssyncadd.s32 @!p0 $0xFFFFC000  }
0x3c: {  	[tilespmem:s6], [sflag:$0x2] =	stream.indirect.gather @!p0 [hbm4b:s1+s12], $0x80, s2, s12, $0xb8;
	[tilespmem:$0x15C00] =	vst v63  }
0x3d: {  	_ =	swait.ge @!p0 [sflag:s9], $0x4000  }
0x3e: {  	s10 =	simm.s32 @!p0 $0x0;
	s2 =	simm.s32 @!p0 $0x9C00;
	[sflag:s9] =	ssyncset.done @!p0 $0x0  }
0x3f: {  	s6 =	sadd.s32 @!p0 $0x20000, s7;
	[sflag:s9] =	ssyncadd.s32 @!p0 $0xFFFFC000;
	s9 =	simm.s32 @!p0 $0x8  }
0x40: {  	[hbm4b:s6+s10] =	stream.linear.scatter @!p0 [tilespmem:s2], [sflag:$0x8], $0x4000, $0x38;
	[tilespmem:$0x15C00] =	vst v63  }
0x41: {  	_ =	swait.ge @!p0 [sflag:s9], $0x4000  }
0x42: {  	[sflag:s9] =	ssyncset.done @!p0 $0x0  }
0x43: {  	s6 =	simm.s32 @!p0 $0x380;
	[sflag:s9] =	ssyncadd.s32 @!p0 $0xFFFFC000  }
0x44: {  	[tilespmem:s2], [sflag:$0x3] =	stream.indirect.gather @!p0 [hbm4b:s1+s12], $0x80, s6, s12, $0xb8;
	[tilespmem:$0x15C00] =	vst v63  }
0x45: {  	_ =	swait.ge [sflag:s24], $0x4000  }
0x46: {  	[sflag:s24] =	ssyncset.done $0x0  }
0x47: {  	s26 =	sadd.s32 $0x30000, s7;
	s6 =	simm.s32 @!p0 $0x9;
	[sflag:s24] =	ssyncadd.s32 $0xFFFFC000  }
0x48: {  	[hbm4b:s26+s3] =	stream.linear.scatter [tilespmem:s19], [sflag:$0x9], $0x4000, $0x38;
	[tilespmem:$0x15C00] =	vst v63  }
0x49: {  	_ =	swait.ge @!p0 [sflag:s6], $0x4000  }
0x4a: {  	p1 =	por $0x0, $0x0;
	s16 =	simm.s32 @!p0 $0xDC00;
	[sflag:s6] =	ssyncset.done @!p0 $0x0  }
0x4b: {  	s9 =	sadd.s32 $0x50000, s7;
	s2 =	simm.s32 @!p0 $0x400;
	[sflag:s6] =	ssyncadd.s32 @!p0 $0xFFFFC000  }
0x4c: {  	[tilespmem:s16], [sflag:$0x4] =	stream.indirect.gather @!p0 [hbm4b:s1+s12], $0x80, s2, s12, $0xb8;
	[tilespmem:$0x15C00] =	vst v63  }
0x4d: {  	s10 =	simm.s32 $0xA00;
	s17 =	sadd.s32 $0x50000, s9;
	s12 =	sadd.s32 $0x40000, s7  }
0x4e: {  	s16 =	simm.s32 $0x1400;
	s2 =	sadd.s32 $0x40000, s9;
	_ =	swait.ge [sflag:s25], $0x4000  }
.LBB2_2:
0x4f: {  	[sflag:s25] =	ssyncset.done $0x0  }
0x50: {  	s6 =	simm.s32 @!p1 $0xA;
	[sflag:s25] =	ssyncadd.s32 $0xFFFFC000  }
0x51: {  	[hbm4b:s12+s3] =	stream.linear.scatter [tilespmem:s21], [sflag:$0xA], $0x4000, $0x38;
	[tilespmem:$0x15C00] =	vst v63  }
0x52: {  	_ =	swait.ge @!p1 [sflag:s6], $0x4000  }
0x53: {  	s5 =	sshra.s32 s10, $0x2;
	[sflag:s6] =	ssyncset.done @!p1 $0x0  }
0x54: {  	s5 =	sadd.s32 $0x200, s5;
	[sflag:s6] =	ssyncadd.s32 @!p1 $0xFFFFC000  }
0x55: {  	[tilespmem:s21], [sflag:$0x5] =	stream.indirect.gather [hbm4b:s1+s13], $0x80, s5, s13, $0xb8;
	[tilespmem:$0x15C00] =	vst v63  }
0x56: {  	_ =	swait.ge [sflag:s22], $0x4000  }
0x57: {  	p1 =	seq.s32 s10, $0x5A00;
	[sflag:s22] =	ssyncset.done $0x0  }
0x58: {  	s18 =	sadd.s32 $0x40000, s17;
	s5 =	simm.s32 @!p1 $0x6;
	[sflag:s22] =	ssyncadd.s32 $0xFFFFC000  }
0x59: {  	[hbm4b:s9+s3] =	stream.linear.scatter [tilespmem:s14], [sflag:$0x6], $0x4000, $0x38;
	[tilespmem:$0x15C00] =	vst v63  }
0x5a: {  	s12 =	smov.u32 s2;
	s2 =	smov.u32 s18;
	_ =	swait.ge @!p1 [sflag:s5], $0x4000  }
0x5b: {  	s6 =	sshra.s32 @!p1 s10, $0x2;
	s18 =	simm.s32 @!p1 $0x80;
	[sflag:s5] =	ssyncset.done @!p1 $0x0  }
0x5c: {  	s8 =	simm.s32 @!p1 $0x1C00;
	s10 =	sadd.s32 @!p1 $0x280, s6;
	[sflag:s5] =	ssyncadd.s32 @!p1 $0xFFFFC000  }
0x5d: {  	[tilespmem:s8], [sflag:$0x1] =	stream.indirect.gather @!p1 [hbm4b:s1+s18], $0x80, s10, s18, $0xb8;
	[tilespmem:$0x15C00] =	vst v63  }
0x5e: {  	_ =	swait.ge [sflag:s23], $0x4000  }
0x5f: {  	[sflag:s23] =	ssyncset.done $0x0  }
0x60: {  	s20 =	sadd.s32 $0x10000, s9;
	s8 =	simm.s32 @p1 $0x3;
	[sflag:s23] =	ssyncadd.s32 $0xFFFFC000  }
0x61: {  	[hbm4b:s20+s3] =	stream.linear.scatter [tilespmem:s15], [sflag:$0x7], $0x4000, $0x38;
	[tilespmem:$0x15C00] =	vst v63  }
0x62: {  	s4 =	smov.u32 s16;
	s26 =	simm.s32 @!p1 $0x7;
	_ =	swait.ge @p1 [sflag:s8], $0x4000  }
0x63: {  	s10 =	smov.u32 s4;
	s20 =	simm.s32 @p1 $0x9C00;
	[sflag:s8] =	ssyncset.done @p1 $0x0  }
0x64: {  	s4 =	rddreg [dreg:$0x4];
	[sflag:s8] =	ssyncadd.s32 @p1 $0xFFFFC000;
	s8 =	simm.s32 @p1 $0x0  }
0x65: {  	[hbm4b:s4+s8] =	stream.linear.scatter @p1 [tilespmem:s20], [sflag:$0x8], $0x4000, $0x38;
	[tilespmem:$0x15C00] =	vst v63  }
0x66: {  	_ =	swait.ge @!p1 [sflag:s26], $0x4000  }
0x67: {  	s11 =	sadd.s32 @!p1 $0x300, s6;
	[sflag:s26] =	ssyncset.done @!p1 $0x0  }
0x68: {  	s4 =	simm.s32 @!p1 $0x5C00;
	s8 =	simm.s32 @!p1 $0x3;
	[sflag:s26] =	ssyncadd.s32 @!p1 $0xFFFFC000  }
0x69: {  	[tilespmem:s4], [sflag:$0x2] =	stream.indirect.gather @!p1 [hbm4b:s1+s18], $0x80, s11, s18, $0xb8;
	[tilespmem:$0x15C00] =	vst v63  }
0x6a: {  	_ =	swait.ge @!p1 [sflag:s8], $0x4000  }
0x6b: {  	s20 =	simm.s32 @!p1 $0x0;
	s4 =	simm.s32 @!p1 $0x9C00;
	[sflag:s8] =	ssyncset.done @!p1 $0x0  }
0x6c: {  	s11 =	sadd.s32 @!p1 $0x20000, s9;
	[sflag:s8] =	ssyncadd.s32 @!p1 $0xFFFFC000;
	s8 =	simm.s32 @!p1 $0x8  }
0x6d: {  	[hbm4b:s11+s20] =	stream.linear.scatter @!p1 [tilespmem:s4], [sflag:$0x8], $0x4000, $0x38;
	[tilespmem:$0x15C00] =	vst v63  }
0x6e: {  	_ =	swait.ge @!p1 [sflag:s8], $0x4000  }
0x6f: {  	[sflag:s8] =	ssyncset.done @!p1 $0x0  }
0x70: {  	s5 =	sadd.s32 @!p1 $0x380, s6;
	[sflag:s8] =	ssyncadd.s32 @!p1 $0xFFFFC000  }
0x71: {  	[tilespmem:s4], [sflag:$0x3] =	stream.indirect.gather @!p1 [hbm4b:s1+s18], $0x80, s5, s18, $0xb8;
	[tilespmem:$0x15C00] =	vst v63  }
0x72: {  	s16 =	sadd.s32 $0xA00, s16;
	_ =	swait.ge [sflag:s24], $0x4000  }
0x73: {  	p0 =	sne.s32 s16, $0x6400;
	[sflag:s24] =	ssyncset.done $0x0  }
0x74: {  	s26 =	sadd.s32 $0x30000, s9;
	s5 =	simm.s32 @!p1 $0x9;
	[sflag:s24] =	ssyncadd.s32 $0xFFFFC000  }
0x75: {  	[hbm4b:s26+s3] =	stream.linear.scatter [tilespmem:s19], [sflag:$0x9], $0x4000, $0x38;
	[tilespmem:$0x15C00] =	vst v63  }
.Ltmp0:
0x76: {  	_ =	swait.ge @!p1 [sflag:s5], $0x4000;
	(pc) =	sbr.rel @p0 .LBB2_2-.Ltmp0, $4  }
0x77: {  	s6 =	sadd.s32 @!p1 $0x400, s6;
	[sflag:s5] =	ssyncset.done @!p1 $0x0  }
0x78: {  	s9 =	smov.u32 s17;
	s4 =	simm.s32 @!p1 $0xDC00;
	[sflag:s5] =	ssyncadd.s32 @!p1 $0xFFFFC000  }
0x79: {  	[tilespmem:s4], [sflag:$0x4] =	stream.indirect.gather @!p1 [hbm4b:s1+s18], $0x80, s6, s18, $0xb8;
	[tilespmem:$0x15C00] =	vst v63  }
0x7a: {  	s17 =	sadd.s32 $0x50000, s17;
	p1 =	seq.s32 s10, $0x0;
	_ =	swait.ge [sflag:s25], $0x4000  }
0x7b: {  	[sflag:s25] =	ssyncset.done $0x0  }
0x7c: {  	s4 =	simm.s32 @!p1 $0xA;
	[sflag:s25] =	ssyncadd.s32 $0xFFFFC000  }
0x7d: {  	[hbm4b:s12+s3] =	stream.linear.scatter [tilespmem:s21], [sflag:$0xA], $0x4000, $0x38;
	[tilespmem:$0x15C00] =	vst v63  }
0x7e: {  	_ =	swait.ge @!p1 [sflag:s4], $0x4000  }
0x7f: {  	s5 =	sshra.s32 s10, $0x2;
	[sflag:s4] =	ssyncset.done @!p1 $0x0  }
0x80: {  	s5 =	sadd.s32 $0x200, s5;
	[sflag:s4] =	ssyncadd.s32 @!p1 $0xFFFFC000  }
0x81: {  	[tilespmem:s21], [sflag:$0x5] =	stream.indirect.gather [hbm4b:s1+s13], $0x80, s5, s13, $0xb8;
	[tilespmem:$0x15C00] =	vst v63  }
0x82: {  	_ =	swait.ge [sflag:s22], $0x4000  }
0x83: {  	p0 =	seq.s32 s10, $0x5A00;
	[sflag:s22] =	ssyncset.done $0x0  }
0x84: {  	s4 =	simm.s32 @!p0 $0x6;
	[sflag:s22] =	ssyncadd.s32 $0xFFFFC000  }
0x85: {  	[hbm4b:s9+s3] =	stream.linear.scatter [tilespmem:s14], [sflag:$0x6], $0x4000, $0x38;
	[tilespmem:$0x15C00] =	vst v63  }
0x86: {  	_ =	swait.ge @!p0 [sflag:s4], $0x4000  }
0x87: {  	s8 =	simm.s32 @!p0 $0x80;
	s5 =	sshra.s32 @!p0 s10, $0x2;
	[sflag:s4] =	ssyncset.done @!p0 $0x0  }
0x88: {  	s10 =	simm.s32 @!p0 $0x1C00;
	s6 =	sadd.s32 @!p0 $0x280, s5;
	[sflag:s4] =	ssyncadd.s32 @!p0 $0xFFFFC000  }
0x89: {  	[tilespmem:s10], [sflag:$0x1] =	stream.indirect.gather @!p0 [hbm4b:s1+s8], $0x80, s6, s8, $0xb8;
	[tilespmem:$0x15C00] =	vst v63  }
0x8a: {  	_ =	swait.ge [sflag:s23], $0x4000  }
0x8b: {  	[sflag:s23] =	ssyncset.done $0x0  }
0x8c: {  	s17 =	sadd.s32 $0x10000, s9;
	s6 =	simm.s32 @p0 $0x3;
	[sflag:s23] =	ssyncadd.s32 $0xFFFFC000  }
0x8d: {  	[hbm4b:s17+s3] =	stream.linear.scatter [tilespmem:s15], [sflag:$0x7], $0x4000, $0x38;
	[tilespmem:$0x15C00] =	vst v63  }
0x8e: {  	_ =	swait.ge @p0 [sflag:s6], $0x4000  }
0x8f: {  	s10 =	simm.s32 @p0 $0x9C00;
	[sflag:s6] =	ssyncset.done @p0 $0x0  }
0x90: {  	s4 =	rddreg [dreg:$0x4];
	[sflag:s6] =	ssyncadd.s32 @p0 $0xFFFFC000;
	s6 =	simm.s32 @p0 $0x0  }
0x91: {  	[hbm4b:s4+s6] =	stream.linear.scatter @p0 [tilespmem:s10], [sflag:$0x8], $0x4000, $0x38;
	[tilespmem:$0x15C00] =	vst v63  }
0x92: {  	s4 =	simm.s32 @!p0 $0x7  }
0x93: {  	_ =	swait.ge @!p0 [sflag:s4], $0x4000  }
0x94: {  	s6 =	sadd.s32 @!p0 $0x300, s5;
	[sflag:s4] =	ssyncset.done @!p0 $0x0  }
0x95: {  	s10 =	simm.s32 @!p0 $0x5C00;
	[sflag:s4] =	ssyncadd.s32 @!p0 $0xFFFFC000;
	s4 =	simm.s32 @!p0 $0x3  }
0x96: {  	[tilespmem:s10], [sflag:$0x2] =	stream.indirect.gather @!p0 [hbm4b:s1+s8], $0x80, s6, s8, $0xb8;
	[tilespmem:$0x15C00] =	vst v63  }
0x97: {  	_ =	swait.ge @!p0 [sflag:s4], $0x4000  }
0x98: {  	s6 =	simm.s32 @!p0 $0x9C00;
	[sflag:s4] =	ssyncset.done @!p0 $0x0  }
0x99: {  	s10 =	sadd.s32 @!p0 $0x20000, s9;
	[sflag:s4] =	ssyncadd.s32 @!p0 $0xFFFFC000;
	s4 =	simm.s32 @!p0 $0x0  }
0x9a: {  	[hbm4b:s10+s4] =	stream.linear.scatter @!p0 [tilespmem:s6], [sflag:$0x8], $0x4000, $0x38;
	[tilespmem:$0x15C00] =	vst v63  }
0x9b: {  	s4 =	simm.s32 @!p0 $0x8  }
0x9c: {  	_ =	swait.ge @!p0 [sflag:s4], $0x4000  }
0x9d: {  	[sflag:s4] =	ssyncset.done @!p0 $0x0  }
0x9e: {  	[sflag:s4] =	ssyncadd.s32 @!p0 $0xFFFFC000;
	s4 =	sadd.s32 @!p0 $0x380, s5  }
0x9f: {  	[tilespmem:s6], [sflag:$0x3] =	stream.indirect.gather @!p0 [hbm4b:s1+s8], $0x80, s4, s8, $0xb8;
	[tilespmem:$0x15C00] =	vst v63  }
0xa0: {  	_ =	swait.ge [sflag:s24], $0x4000  }
0xa1: {  	[sflag:s24] =	ssyncset.done $0x0  }
0xa2: {  	s18 =	sadd.s32 $0x30000, s9;
	s4 =	simm.s32 @!p0 $0x9;
	[sflag:s24] =	ssyncadd.s32 $0xFFFFC000  }
0xa3: {  	[hbm4b:s18+s3] =	stream.linear.scatter [tilespmem:s19], [sflag:$0x9], $0x4000, $0x38;
	[tilespmem:$0x15C00] =	vst v63  }
0xa4: {  	_ =	swait.ge @!p0 [sflag:s4], $0x4000  }
0xa5: {  	[sflag:s4] =	ssyncset.done @!p0 $0x0  }
0xa6: {  	s5 =	sadd.s32 @!p0 $0x400, s5;
	[sflag:s4] =	ssyncadd.s32 @!p0 $0xFFFFC000;
	s4 =	simm.s32 @!p0 $0xDC00  }
0xa7: {  	[tilespmem:s4], [sflag:$0x4] =	stream.indirect.gather @!p0 [hbm4b:s1+s8], $0x80, s5, s8, $0xb8;
	[tilespmem:$0x15C00] =	vst v63  }
0xa8: {  	_ =	swait.ge [sflag:s25], $0x4000  }
0xa9: {  	[sflag:s25] =	ssyncset.done $0x0  }
0xaa: {  	s20 =	simm.s32 $0x6;
	[sflag:s25] =	ssyncadd.s32 $0xFFFFC000  }
0xab: {  	[hbm4b:s2+s3] =	stream.linear.scatter [tilespmem:s21], [sflag:$0xA], $0x4000, $0x38;
	[tilespmem:$0x15C00] =	vst v63  }
0xac: {  	_ =	swait.ge [sflag:s20], $0x4000  }
0xad: {  	[sflag:s20] =	ssyncset.done $0x0  }
0xae: {  	[sflag:s20] =	ssyncadd.s32 $0xFFFFC000  }
0xaf: {  	_ =	swait.ge [sflag:s28], $0x4000  }
0xb0: {  	[sflag:s28] =	ssyncset.done $0x0  }
0xb1: {  	[sflag:s28] =	ssyncadd.s32 $0xFFFFC000  }
0xb2: {  	_ =	swait.ge [sflag:s29], $0x4000  }
0xb3: {  	[sflag:s29] =	ssyncset.done $0x0  }
0xb4: {  	[sflag:s29] =	ssyncadd.s32 $0xFFFFC000  }
0xb5: {  	_ =	swait.ge [sflag:s30], $0x4000  }
0xb6: {  	[sflag:s30] =	ssyncset.done $0x0  }
0xb7: {  	[sflag:s30] =	ssyncadd.s32 $0xFFFFC000  }
0xb8: {  	_ =	swait.ge [sflag:s31], $0x4000  }
0xb9: {  	s0 =	sadd.s32 $0x1, s0;
	s26 =	rddreg [dreg:$0x7]  }
0xba: {  	p0 =	sne.s32 s0, s26  }
.Ltmp1:
0xbb: {  	_ = 	snop;
	(pc) =	sbr.rel @p0 .LBB2_1-.Ltmp1, $3  }
0xbc: {  	_ =	sdelay $0x1  }
0xbd: {  	[sflag:s31] =	ssyncset.done $0x0  }
0xbe: {  	[sflag:s31] =	ssyncadd.s32 $0xFFFFC000  }
0xbf: {  	_ =	sfence.sel $0x180000  }
0xc0: {  	[bflag:$0x0] =	sbarrier.arrive $0xFFFF  }
0xc1: {  	_ =	strace $0x90000047  }
0xc2: {  	s0 =	stileid.u32;
	[bflag:$0x2] =	sbarrier.arrive $0xFFFF  }
0xc3: {  	p0 =	sne.s32 s0, $0x0;
	s0 =	rddreg [dreg:$0x3]  }
0xc4: {  	s0 =	sadd.s32 @!p0 $0x100000, s0  }
0xc5: {  	[sflag:s0] =	ssyncadd.tile.s32 @!p0 $0x1;
	_ =	shalt  }
.Lfunc_end2:
_tile_overlayer_lowered:
.L_overlay_start_2:
0xc6: {  	(tag) =	ssettag $0x2  }
0xc7: {  	s0 =	rddreg [dreg:$0x0];
	s2 =	stileid.u32  }
0xc8: {  	s1 =	rddreg [dreg:$0x1];
	p0 =	sne.s32 s2, $0x0  }
0xc9: {  	s3 =	rddreg [dreg:$0x2];
	[bflag:$0x3] =	sbarrier.arrive $0xFFFF;
	s2 =	simm.s32 @!p0 $0x1C0C  }
0xca: {  	[timem:s3], [sflag:s2] =	dma.local @!p0 [hbm:s0], s1  }
0xcb: {  	s0 =	simm.s32 @!p0 $0xC  }
0xcc: {  	_ =	swait.ge @!p0 [sflag:s0], s1  }
0xcd: {  	s1 =	ssub.s32 @!p0 $0x0, s1;
	[sflag:s0] =	ssyncset.done @!p0 $0x0  }
0xce: {  	[sflag:s0] =	ssyncadd.s32 @!p0 s1  }
0xcf: {  	[bflag:$0x3] =	sbarrier.arrive $0xFFFF  }
0xd0: {  	_ =	shalt  }

</sc_bundles>
